<compile_context>
chip_gen: v7x
topology: tpu7x:2x2x1
jax: 0.10.2.dev20260603
libtpu: 0.0.44.dev20260713+nightly
codegen_flags: <defaults>
</compile_context>

<pallas_src>
import jax
import jax.numpy as jnp
from jax import lax
from jax.experimental import pallas as pl
from jax.experimental.pallas import tpu as pltpu
from jax.experimental.pallas import tpu_sc as plsc

_SEQ = 8192
_NS = 16
_L = 16
_ROWS = _SEQ // _NS
_UNROLL = 8

_POS = 5316


def _lane_sum(v, buf):
    for sh in (8, 4, 2, 1):
        buf[pl.ds(0, _L)] = v
        buf[pl.ds(_L, _L)] = v
        v = v + buf[pl.ds(sh, _L)]
    return v


def _make_body(pos):
    owner = pos // _ROWS
    ochunk = (pos % _ROWS) // _L
    olane = pos % _L

    def _gate_body(col0_hbm, col1_hbm, out0_hbm, out1_hbm,
                   a_v, b_v, o0_v, o1_v, loc_v, shared_v, red_v, buf_v, sem):
        s = lax.axis_index("s")
        rbase = s * _ROWS
        one = jnp.full((_L,), 1.0, jnp.float32)
        zero = jnp.full((_L,), 0.0, jnp.float32)
        lane = lax.iota(jnp.int32, _L)

        cp_a = pltpu.async_copy(col0_hbm.at[pl.ds(rbase, _ROWS)], a_v, sem)
        cp_b = pltpu.async_copy(col1_hbm.at[pl.ds(rbase, _ROWS)], b_v, sem)
        cp_a.wait()
        cp_b.wait()

        def step(j, acc):
            for u in range(_UNROLL):
                off = (j * _UNROLL + u) * _L
                a = a_v[pl.ds(off, _L)]
                b = b_v[pl.ds(off, _L)]
                h = jnp.where(a >= b, one, zero)
                o0_v[pl.ds(off, _L)] = h
                o1_v[pl.ds(off, _L)] = one - h
                acc = acc + h
            return acc

        acc = lax.fori_loop(0, _ROWS // (_L * _UNROLL), step, zero)

        @pl.when(s != owner)
        def _():
            pltpu.async_copy(o0_v, out0_hbm.at[pl.ds(rbase, _ROWS)], sem)
            pltpu.async_copy(o1_v, out1_hbm.at[pl.ds(rbase, _ROWS)], sem)

        loc_v[...] = _lane_sum(acc, buf_v)
        pltpu.sync_copy(loc_v, shared_v.at[s])
        plsc.subcore_barrier()

        @pl.when(s != owner)
        def _():
            pltpu.make_async_copy(o0_v, out0_hbm.at[pl.ds(rbase, _ROWS)],
                                  sem).wait()
            pltpu.make_async_copy(o1_v, out1_hbm.at[pl.ds(rbase, _ROWS)],
                                  sem).wait()

        @pl.when(s == owner)
        def _():
            pltpu.sync_copy(shared_v, red_v)
            tot = zero
            for t in range(_NS):
                tot = tot + red_v[t]
            n_rows = jnp.full((_L,), float(_SEQ), jnp.float32)
            cond = (tot == n_rows) | (tot == zero)
            hit = cond & (lane == olane)
            a = o0_v[pl.ds(ochunk * _L, _L)]
            b = o1_v[pl.ds(ochunk * _L, _L)]
            o0_v[pl.ds(ochunk * _L, _L)] = jnp.where(hit, b, a)
            o1_v[pl.ds(ochunk * _L, _L)] = jnp.where(hit, a, b)
            cp0 = pltpu.async_copy(o0_v, out0_hbm.at[pl.ds(rbase, _ROWS)],
                                   sem)
            cp1 = pltpu.async_copy(o1_v, out1_hbm.at[pl.ds(rbase, _ROWS)],
                                   sem)
            cp0.wait()
            cp1.wait()

    return _gate_body


@jax.jit
def _gate_sc(col0, col1):
    mesh = plsc.VectorSubcoreMesh(core_axis_name="c", subcore_axis_name="s",
                                  num_cores=1, num_subcores=_NS)
    f32 = jnp.float32
    run = pl.kernel(
        _make_body(_POS),
        out_type=(jax.ShapeDtypeStruct((_SEQ,), f32),
                  jax.ShapeDtypeStruct((_SEQ,), f32)),
        mesh=mesh,
        scratch_types=[
            pltpu.VMEM((_ROWS,), f32),
            pltpu.VMEM((_ROWS,), f32),
            pltpu.VMEM((_ROWS,), f32),
            pltpu.VMEM((_ROWS,), f32),
            pltpu.VMEM((_L,), f32),
            pltpu.VMEM_SHARED((_NS, _L), f32),
            pltpu.VMEM((_NS, _L), f32),
            pltpu.VMEM((2 * _L,), f32),
            pltpu.SemaphoreType.DMA,
        ],
        name="me_gated_balance_mask",
    )
    return run(col0, col1)


def kernel(x, W, global_gate_score):
    del x, W
    ggs = global_gate_score
    return _gate_sc(ggs[:, 0], ggs[:, 1])

# --- scband reference (transcript-rebuilt; emitter-appended) ---
"""Pipeline reference for scband-mutually-exclusive-gated-attention-global-balance-mask-89412629168773 (READ-ONLY COPY).

The authoritative reference and input builder live on the scoring server;
editing this copy changes nothing except your own understanding.
"""

import jax, jax.numpy as jnp
import numpy as np

BATCH = 4
SEQ_LEN = 8192
D_MODEL = 1024
TAU = 0.5


def setup_inputs(seed: int = 0) -> dict:
    key = jax.random.key(seed)
    k1, k2 = jax.random.split(key)
    x = jax.random.normal(k1, (BATCH, SEQ_LEN, D_MODEL), dtype=jnp.float32)
    # nn.Linear(d_model, 2, bias=False) weight: [out=2, in=d_model]
    W = jax.random.normal(k2, (2, D_MODEL), dtype=jnp.float32) * (1.0 / np.sqrt(D_MODEL))
    # registered buffer initialized to 0.5 in both columns
    global_gate_score = jnp.full((SEQ_LEN, 2), 0.5, dtype=jnp.float32)
    return {"x": x, "W": W, "global_gate_score": global_gate_score}


def _gumbel_softmax_eval(logits, tau):
    # eval path of the custom GumbelSoftmax autograd.Function (training=False):
    # y_soft = softmax(logits); hard one-hot with straight-through estimator
    y_soft = jax.nn.softmax(logits, axis=-1)
    index = jnp.argmax(y_soft, axis=-1)
    y_hard = jax.nn.one_hot(index, logits.shape[-1], dtype=logits.dtype)
    return y_hard - jax.lax.stop_gradient(y_soft) + y_soft


def reference(x, W, global_gate_score):
    # gate projection (in eval mode the EMA buffer update is skipped, so
    # logits do not influence the returned gate scores; kept for fidelity)
    logits = jnp.einsum('bsd,ed->bse', x, W)
    del logits

    gate_scores = _gumbel_softmax_eval(global_gate_score, TAU)

    diff = gate_scores[:, 0] - gate_scores[:, 1]
    cond = jnp.logical_or(jnp.all(diff > 0), jnp.all(diff < 0))
    # torch.randint(0, seq_len, (1,)) -> deterministic jax equivalent
    pos = jax.random.randint(jax.random.key(42), (), 0, gate_scores.shape[0])
    flipped = gate_scores.at[pos].set(jnp.flip(gate_scores[pos], axis=-1))
    gate_scores = jnp.where(cond, flipped, gate_scores)

    # gate_scores.unbind(-1)
    return (gate_scores[:, 0], gate_scores[:, 1])

if __name__ == "__main__":
    import jax
    _d = setup_inputs()
    print(jax.jit(kernel)(*tuple(_d.values())))

</pallas_src>

<mosaic_0001>
#map = affine_map<(d0, d1) -> (0)>
module attributes {stable_mosaic.version = 14 : i64} {
  func.func @me_gated_balance_mask(%arg0: i32, %arg1: i32, %arg2: memref<8192xf32, #tpu.memory_space<hbm>>, %arg3: memref<8192xf32, #tpu.memory_space<hbm>>, %arg4: memref<8192xf32, #tpu.memory_space<hbm>>, %arg5: memref<8192xf32, #tpu.memory_space<hbm>>, %arg6: memref<512xf32, #tpu.memory_space<vmem>>, %arg7: memref<512xf32, #tpu.memory_space<vmem>>, %arg8: memref<512xf32, #tpu.memory_space<vmem>>, %arg9: memref<512xf32, #tpu.memory_space<vmem>>, %arg10: memref<16xf32, #tpu.memory_space<vmem>>, %arg11: memref<16x16xf32, #tpu.memory_space<vmem_shared>>, %arg12: memref<16x16xf32, #tpu.memory_space<vmem>>, %arg13: memref<32xf32, #tpu.memory_space<vmem>>, %arg14: memref<!tpu.dma_semaphore, #tpu.memory_space<semaphore_mem>>) attributes {dimension_semantics = [#tpu.dimension_semantics<core_parallel>, #tpu.dimension_semantics<subcore_parallel>], iteration_bounds = array<i64: 1, 16>, scalar_prefetch = 0 : i64, scratch_operands = 9 : i64, tpu.core_type = #tpu.core_type<sc_vector_subcore>, window_params = [{transform_indices = #map}, {transform_indices = #map}, {transform_indices = #map}, {transform_indices = #map}]} {
    %mul3A = arith.constant 512 : i32
    %mul3A_0 = arith.muli %arg1, %mul3A : i32
    %broadcast_in_dim3A = arith.constant 1.000000e+00 : f32
    %broadcast_in_dim3A_1 = vector.broadcast %broadcast_in_dim3A : f32 to vector<16xf32>
    %broadcast_in_dim3A_2 = arith.constant 0.000000e+00 : f32
    %broadcast_in_dim3A_3 = vector.broadcast %broadcast_in_dim3A_2 : f32 to vector<16xf32>
    %iota3A = tpu.iota {dimensions = array<i32: 0>} : vector<16xi32>
    %dma_start3A = tpu.memref_slice %arg2[%mul3A_0] : memref<8192xf32, #tpu.memory_space<hbm>> -> memref<512xf32, #tpu.memory_space<hbm>>
    %dma_start3A_4 = tpu.memref_slice %arg2[%mul3A_0] : memref<8192xf32, #tpu.memory_space<hbm>> -> memref<512xf32, #tpu.memory_space<hbm>>
    tpu.enqueue_dma source(%dma_start3A_4 : memref<512xf32, #tpu.memory_space<hbm>>) target(%arg6 : memref<512xf32, #tpu.memory_space<vmem>>) target_semaphore(%arg14 : memref<!tpu.dma_semaphore, #tpu.memory_space<semaphore_mem>>)
    %dma_start3A_5 = tpu.memref_slice %arg3[%mul3A_0] : memref<8192xf32, #tpu.memory_space<hbm>> -> memref<512xf32, #tpu.memory_space<hbm>>
    %dma_start3A_6 = tpu.memref_slice %arg3[%mul3A_0] : memref<8192xf32, #tpu.memory_space<hbm>> -> memref<512xf32, #tpu.memory_space<hbm>>
    tpu.enqueue_dma source(%dma_start3A_6 : memref<512xf32, #tpu.memory_space<hbm>>) target(%arg7 : memref<512xf32, #tpu.memory_space<vmem>>) target_semaphore(%arg14 : memref<!tpu.dma_semaphore, #tpu.memory_space<semaphore_mem>>)
    %dma_wait3A = tpu.memref_slice %arg2[%mul3A_0] : memref<8192xf32, #tpu.memory_space<hbm>> -> memref<512xf32, #tpu.memory_space<hbm>>
    %dma_wait3A_7 = tpu.memref_slice %arg2[%mul3A_0] : memref<8192xf32, #tpu.memory_space<hbm>> -> memref<512xf32, #tpu.memory_space<hbm>>
    tpu.wait_dma2 semaphore(%arg14 : memref<!tpu.dma_semaphore, #tpu.memory_space<semaphore_mem>>) src(%dma_wait3A_7 : memref<512xf32, #tpu.memory_space<hbm>>) dst(%arg6 : memref<512xf32, #tpu.memory_space<vmem>>)
    %dma_wait3A_8 = tpu.memref_slice %arg3[%mul3A_0] : memref<8192xf32, #tpu.memory_space<hbm>> -> memref<512xf32, #tpu.memory_space<hbm>>
    %dma_wait3A_9 = tpu.memref_slice %arg3[%mul3A_0] : memref<8192xf32, #tpu.memory_space<hbm>> -> memref<512xf32, #tpu.memory_space<hbm>>
    tpu.wait_dma2 semaphore(%arg14 : memref<!tpu.dma_semaphore, #tpu.memory_space<semaphore_mem>>) src(%dma_wait3A_9 : memref<512xf32, #tpu.memory_space<hbm>>) dst(%arg7 : memref<512xf32, #tpu.memory_space<vmem>>)
    %scan3A = arith.constant 0 : i32
    %scan3A_10 = arith.constant 4 : i32
    %scan3A_11 = arith.addi %scan3A, %scan3A_10 : i32
    %scan3A_12 = arith.constant 1 : i32
    %scan3A_13 = scf.for %scan3A_75 = %scan3A to %scan3A_11 step %scan3A_12 iter_args(%scan3A_76 = %broadcast_in_dim3A_3) -> (vector<16xf32>)  : i32 {
      %mul3A_77 = arith.constant 8 : i32
      %mul3A_78 = arith.muli %scan3A_75, %mul3A_77 : i32
      %add3A_79 = arith.constant 0 : i32
      %add3A_80 = arith.addi %mul3A_78, %add3A_79 : i32
      %mul3A_81 = arith.constant 16 : i32
      %mul3A_82 = arith.muli %add3A_80, %mul3A_81 : i32
      %get3A_83 = arith.index_cast %mul3A_82 : i32 to index
      %get3A_84 = tpu.vector_load %arg6[%get3A_83] {strides = array<i32>} : memref<512xf32, #tpu.memory_space<vmem>>, vector<16xf32>,
      %get3A_85 = vector.shape_cast %get3A_84 : vector<16xf32> to vector<16xf32>
      %get3A_86 = arith.index_cast %mul3A_82 : i32 to index
      %get3A_87 = tpu.vector_load %arg7[%get3A_86] {strides = array<i32>} : memref<512xf32, #tpu.memory_space<vmem>>, vector<16xf32>,
      %get3A_88 = vector.shape_cast %get3A_87 : vector<16xf32> to vector<16xf32>
      %ge3A = arith.cmpf oge, %get3A_85, %get3A_88 : vector<16xf32>
      %select_n3A = arith.select %ge3A, %broadcast_in_dim3A_1, %broadcast_in_dim3A_3 : vector<16xi1>, vector<16xf32>
      %swap3A_89 = arith.index_cast %mul3A_82 : i32 to index
      %swap3A_90 = tpu.vector_load %arg8[%swap3A_89] {strides = array<i32>} : memref<512xf32, #tpu.memory_space<vmem>>, vector<16xf32>,
      %swap3A_91 = vector.shape_cast %swap3A_90 : vector<16xf32> to vector<16xf32>
      %swap3A_92 = vector.shape_cast %select_n3A : vector<16xf32> to vector<16xf32>
      tpu.vector_store %arg8[%swap3A_89], %swap3A_92 {strides = array<i32>} : memref<512xf32, #tpu.memory_space<vmem>>, vector<16xf32>,
      %sub3A = arith.subf %broadcast_in_dim3A_1, %select_n3A : vector<16xf32>
      %swap3A_93 = arith.index_cast %mul3A_82 : i32 to index
      %swap3A_94 = tpu.vector_load %arg9[%swap3A_93] {strides = array<i32>} : memref<512xf32, #tpu.memory_space<vmem>>, vector<16xf32>,
      %swap3A_95 = vector.shape_cast %swap3A_94 : vector<16xf32> to vector<16xf32>
      %swap3A_96 = vector.shape_cast %sub3A : vector<16xf32> to vector<16xf32>
      tpu.vector_store %arg9[%swap3A_93], %swap3A_96 {strides = array<i32>} : memref<512xf32, #tpu.memory_space<vmem>>, vector<16xf32>,
      %add3A_97 = arith.addf %scan3A_76, %select_n3A : vector<16xf32>
      %mul3A_98 = arith.constant 8 : i32
      %mul3A_99 = arith.muli %scan3A_75, %mul3A_98 : i32
      %add3A_100 = arith.constant 1 : i32
      %add3A_101 = arith.addi %mul3A_99, %add3A_100 : i32
      %mul3A_102 = arith.constant 16 : i32
      %mul3A_103 = arith.muli %add3A_101, %mul3A_102 : i32
      %get3A_104 = arith.index_cast %mul3A_103 : i32 to index
      %get3A_105 = tpu.vector_load %arg6[%get3A_104] {strides = array<i32>} : memref<512xf32, #tpu.memory_space<vmem>>, vector<16xf32>,
      %get3A_106 = vector.shape_cast %get3A_105 : vector<16xf32> to vector<16xf32>
      %get3A_107 = arith.index_cast %mul3A_103 : i32 to index
      %get3A_108 = tpu.vector_load %arg7[%get3A_107] {strides = array<i32>} : memref<512xf32, #tpu.memory_space<vmem>>, vector<16xf32>,
      %get3A_109 = vector.shape_cast %get3A_108 : vector<16xf32> to vector<16xf32>
      %ge3A_110 = arith.cmpf oge, %get3A_106, %get3A_109 : vector<16xf32>
      %select_n3A_111 = arith.select %ge3A_110, %broadcast_in_dim3A_1, %broadcast_in_dim3A_3 : vector<16xi1>, vector<16xf32>
      %swap3A_112 = arith.index_cast %mul3A_103 : i32 to index
      %swap3A_113 = tpu.vector_load %arg8[%swap3A_112] {strides = array<i32>} : memref<512xf32, #tpu.memory_space<vmem>>, vector<16xf32>,
      %swap3A_114 = vector.shape_cast %swap3A_113 : vector<16xf32> to vector<16xf32>
      %swap3A_115 = vector.shape_cast %select_n3A_111 : vector<16xf32> to vector<16xf32>
      tpu.vector_store %arg8[%swap3A_112], %swap3A_115 {strides = array<i32>} : memref<512xf32, #tpu.memory_space<vmem>>, vector<16xf32>,
      %sub3A_116 = arith.subf %broadcast_in_dim3A_1, %select_n3A_111 : vector<16xf32>
      %swap3A_117 = arith.index_cast %mul3A_103 : i32 to index
      %swap3A_118 = tpu.vector_load %arg9[%swap3A_117] {strides = array<i32>} : memref<512xf32, #tpu.memory_space<vmem>>, vector<16xf32>,
      %swap3A_119 = vector.shape_cast %swap3A_118 : vector<16xf32> to vector<16xf32>
      %swap3A_120 = vector.shape_cast %sub3A_116 : vector<16xf32> to vector<16xf32>
      tpu.vector_store %arg9[%swap3A_117], %swap3A_120 {strides = array<i32>} : memref<512xf32, #tpu.memory_space<vmem>>, vector<16xf32>,
      %add3A_121 = arith.addf %add3A_97, %select_n3A_111 : vector<16xf32>
      %mul3A_122 = arith.constant 8 : i32
      %mul3A_123 = arith.muli %scan3A_75, %mul3A_122 : i32
      %add3A_124 = arith.constant 2 : i32
      %add3A_125 = arith.addi %mul3A_123, %add3A_124 : i32
      %mul3A_126 = arith.constant 16 : i32
      %mul3A_127 = arith.muli %add3A_125, %mul3A_126 : i32
      %get3A_128 = arith.index_cast %mul3A_127 : i32 to index
      %get3A_129 = tpu.vector_load %arg6[%get3A_128] {strides = array<i32>} : memref<512xf32, #tpu.memory_space<vmem>>, vector<16xf32>,
      %get3A_130 = vector.shape_cast %get3A_129 : vector<16xf32> to vector<16xf32>
      %get3A_131 = arith.index_cast %mul3A_127 : i32 to index
      %get3A_132 = tpu.vector_load %arg7[%get3A_131] {strides = array<i32>} : memref<512xf32, #tpu.memory_space<vmem>>, vector<16xf32>,
      %get3A_133 = vector.shape_cast %get3A_132 : vector<16xf32> to vector<16xf32>
      %ge3A_134 = arith.cmpf oge, %get3A_130, %get3A_133 : vector<16xf32>
      %select_n3A_135 = arith.select %ge3A_134, %broadcast_in_dim3A_1, %broadcast_in_dim3A_3 : vector<16xi1>, vector<16xf32>
      %swap3A_136 = arith.index_cast %mul3A_127 : i32 to index
      %swap3A_137 = tpu.vector_load %arg8[%swap3A_136] {strides = array<i32>} : memref<512xf32, #tpu.memory_space<vmem>>, vector<16xf32>,
      %swap3A_138 = vector.shape_cast %swap3A_137 : vector<16xf32> to vector<16xf32>
      %swap3A_139 = vector.shape_cast %select_n3A_135 : vector<16xf32> to vector<16xf32>
      tpu.vector_store %arg8[%swap3A_136], %swap3A_139 {strides = array<i32>} : memref<512xf32, #tpu.memory_space<vmem>>, vector<16xf32>,
      %sub3A_140 = arith.subf %broadcast_in_dim3A_1, %select_n3A_135 : vector<16xf32>
      %swap3A_141 = arith.index_cast %mul3A_127 : i32 to index
      %swap3A_142 = tpu.vector_load %arg9[%swap3A_141] {strides = array<i32>} : memref<512xf32, #tpu.memory_space<vmem>>, vector<16xf32>,
      %swap3A_143 = vector.shape_cast %swap3A_142 : vector<16xf32> to vector<16xf32>
      %swap3A_144 = vector.shape_cast %sub3A_140 : vector<16xf32> to vector<16xf32>
      tpu.vector_store %arg9[%swap3A_141], %swap3A_144 {strides = array<i32>} : memref<512xf32, #tpu.memory_space<vmem>>, vector<16xf32>,
      %add3A_145 = arith.addf %add3A_121, %select_n3A_135 : vector<16xf32>
      %mul3A_146 = arith.constant 8 : i32
      %mul3A_147 = arith.muli %scan3A_75, %mul3A_146 : i32
      %add3A_148 = arith.constant 3 : i32
      %add3A_149 = arith.addi %mul3A_147, %add3A_148 : i32
      %mul3A_150 = arith.constant 16 : i32
      %mul3A_151 = arith.muli %add3A_149, %mul3A_150 : i32
      %get3A_152 = arith.index_cast %mul3A_151 : i32 to index
      %get3A_153 = tpu.vector_load %arg6[%get3A_152] {strides = array<i32>} : memref<512xf32, #tpu.memory_space<vmem>>, vector<16xf32>,
      %get3A_154 = vector.shape_cast %get3A_153 : vector<16xf32> to vector<16xf32>
      %get3A_155 = arith.index_cast %mul3A_151 : i32 to index
      %get3A_156 = tpu.vector_load %arg7[%get3A_155] {strides = array<i32>} : memref<512xf32, #tpu.memory_space<vmem>>, vector<16xf32>,
      %get3A_157 = vector.shape_cast %get3A_156 : vector<16xf32> to vector<16xf32>
      %ge3A_158 = arith.cmpf oge, %get3A_154, %get3A_157 : vector<16xf32>
      %select_n3A_159 = arith.select %ge3A_158, %broadcast_in_dim3A_1, %broadcast_in_dim3A_3 : vector<16xi1>, vector<16xf32>
      %swap3A_160 = arith.index_cast %mul3A_151 : i32 to index
      %swap3A_161 = tpu.vector_load %arg8[%swap3A_160] {strides = array<i32>} : memref<512xf32, #tpu.memory_space<vmem>>, vector<16xf32>,
      %swap3A_162 = vector.shape_cast %swap3A_161 : vector<16xf32> to vector<16xf32>
      %swap3A_163 = vector.shape_cast %select_n3A_159 : vector<16xf32> to vector<16xf32>
      tpu.vector_store %arg8[%swap3A_160], %swap3A_163 {strides = array<i32>} : memref<512xf32, #tpu.memory_space<vmem>>, vector<16xf32>,
      %sub3A_164 = arith.subf %broadcast_in_dim3A_1, %select_n3A_159 : vector<16xf32>
      %swap3A_165 = arith.index_cast %mul3A_151 : i32 to index
      %swap3A_166 = tpu.vector_load %arg9[%swap3A_165] {strides = array<i32>} : memref<512xf32, #tpu.memory_space<vmem>>, vector<16xf32>,
      %swap3A_167 = vector.shape_cast %swap3A_166 : vector<16xf32> to vector<16xf32>
      %swap3A_168 = vector.shape_cast %sub3A_164 : vector<16xf32> to vector<16xf32>
      tpu.vector_store %arg9[%swap3A_165], %swap3A_168 {strides = array<i32>} : memref<512xf32, #tpu.memory_space<vmem>>, vector<16xf32>,
      %add3A_169 = arith.addf %add3A_145, %select_n3A_159 : vector<16xf32>
      %mul3A_170 = arith.constant 8 : i32
      %mul3A_171 = arith.muli %scan3A_75, %mul3A_170 : i32
      %add3A_172 = arith.constant 4 : i32
      %add3A_173 = arith.addi %mul3A_171, %add3A_172 : i32
      %mul3A_174 = arith.constant 16 : i32
      %mul3A_175 = arith.muli %add3A_173, %mul3A_174 : i32
      %get3A_176 = arith.index_cast %mul3A_175 : i32 to index
      %get3A_177 = tpu.vector_load %arg6[%get3A_176] {strides = array<i32>} : memref<512xf32, #tpu.memory_space<vmem>>, vector<16xf32>,
      %get3A_178 = vector.shape_cast %get3A_177 : vector<16xf32> to vector<16xf32>
      %get3A_179 = arith.index_cast %mul3A_175 : i32 to index
      %get3A_180 = tpu.vector_load %arg7[%get3A_179] {strides = array<i32>} : memref<512xf32, #tpu.memory_space<vmem>>, vector<16xf32>,
      %get3A_181 = vector.shape_cast %get3A_180 : vector<16xf32> to vector<16xf32>
      %ge3A_182 = arith.cmpf oge, %get3A_178, %get3A_181 : vector<16xf32>
      %select_n3A_183 = arith.select %ge3A_182, %broadcast_in_dim3A_1, %broadcast_in_dim3A_3 : vector<16xi1>, vector<16xf32>
      %swap3A_184 = arith.index_cast %mul3A_175 : i32 to index
      %swap3A_185 = tpu.vector_load %arg8[%swap3A_184] {strides = array<i32>} : memref<512xf32, #tpu.memory_space<vmem>>, vector<16xf32>,
      %swap3A_186 = vector.shape_cast %swap3A_185 : vector<16xf32> to vector<16xf32>
      %swap3A_187 = vector.shape_cast %select_n3A_183 : vector<16xf32> to vector<16xf32>
      tpu.vector_store %arg8[%swap3A_184], %swap3A_187 {strides = array<i32>} : memref<512xf32, #tpu.memory_space<vmem>>, vector<16xf32>,
      %sub3A_188 = arith.subf %broadcast_in_dim3A_1, %select_n3A_183 : vector<16xf32>
      %swap3A_189 = arith.index_cast %mul3A_175 : i32 to index
      %swap3A_190 = tpu.vector_load %arg9[%swap3A_189] {strides = array<i32>} : memref<512xf32, #tpu.memory_space<vmem>>, vector<16xf32>,
      %swap3A_191 = vector.shape_cast %swap3A_190 : vector<16xf32> to vector<16xf32>
      %swap3A_192 = vector.shape_cast %sub3A_188 : vector<16xf32> to vector<16xf32>
      tpu.vector_store %arg9[%swap3A_189], %swap3A_192 {strides = array<i32>} : memref<512xf32, #tpu.memory_space<vmem>>, vector<16xf32>,
      %add3A_193 = arith.addf %add3A_169, %select_n3A_183 : vector<16xf32>
      %mul3A_194 = arith.constant 8 : i32
      %mul3A_195 = arith.muli %scan3A_75, %mul3A_194 : i32
      %add3A_196 = arith.constant 5 : i32
      %add3A_197 = arith.addi %mul3A_195, %add3A_196 : i32
      %mul3A_198 = arith.constant 16 : i32
      %mul3A_199 = arith.muli %add3A_197, %mul3A_198 : i32
      %get3A_200 = arith.index_cast %mul3A_199 : i32 to index
      %get3A_201 = tpu.vector_load %arg6[%get3A_200] {strides = array<i32>} : memref<512xf32, #tpu.memory_space<vmem>>, vector<16xf32>,
      %get3A_202 = vector.shape_cast %get3A_201 : vector<16xf32> to vector<16xf32>
      %get3A_203 = arith.index_cast %mul3A_199 : i32 to index
      %get3A_204 = tpu.vector_load %arg7[%get3A_203] {strides = array<i32>} : memref<512xf32, #tpu.memory_space<vmem>>, vector<16xf32>,
      %get3A_205 = vector.shape_cast %get3A_204 : vector<16xf32> to vector<16xf32>
      %ge3A_206 = arith.cmpf oge, %get3A_202, %get3A_205 : vector<16xf32>
      %select_n3A_207 = arith.select %ge3A_206, %broadcast_in_dim3A_1, %broadcast_in_dim3A_3 : vector<16xi1>, vector<16xf32>
      %swap3A_208 = arith.index_cast %mul3A_199 : i32 to index
      %swap3A_209 = tpu.vector_load %arg8[%swap3A_208] {strides = array<i32>} : memref<512xf32, #tpu.memory_space<vmem>>, vector<16xf32>,
      %swap3A_210 = vector.shape_cast %swap3A_209 : vector<16xf32> to vector<16xf32>
      %swap3A_211 = vector.shape_cast %select_n3A_207 : vector<16xf32> to vector<16xf32>
      tpu.vector_store %arg8[%swap3A_208], %swap3A_211 {strides = array<i32>} : memref<512xf32, #tpu.memory_space<vmem>>, vector<16xf32>,
      %sub3A_212 = arith.subf %broadcast_in_dim3A_1, %select_n3A_207 : vector<16xf32>
      %swap3A_213 = arith.index_cast %mul3A_199 : i32 to index
      %swap3A_214 = tpu.vector_load %arg9[%swap3A_213] {strides = array<i32>} : memref<512xf32, #tpu.memory_space<vmem>>, vector<16xf32>,
      %swap3A_215 = vector.shape_cast %swap3A_214 : vector<16xf32> to vector<16xf32>
      %swap3A_216 = vector.shape_cast %sub3A_212 : vector<16xf32> to vector<16xf32>
      tpu.vector_store %arg9[%swap3A_213], %swap3A_216 {strides = array<i32>} : memref<512xf32, #tpu.memory_space<vmem>>, vector<16xf32>,
      %add3A_217 = arith.addf %add3A_193, %select_n3A_207 : vector<16xf32>
      %mul3A_218 = arith.constant 8 : i32
      %mul3A_219 = arith.muli %scan3A_75, %mul3A_218 : i32
      %add3A_220 = arith.constant 6 : i32
      %add3A_221 = arith.addi %mul3A_219, %add3A_220 : i32
      %mul3A_222 = arith.constant 16 : i32
      %mul3A_223 = arith.muli %add3A_221, %mul3A_222 : i32
      %get3A_224 = arith.index_cast %mul3A_223 : i32 to index
      %get3A_225 = tpu.vector_load %arg6[%get3A_224] {strides = array<i32>} : memref<512xf32, #tpu.memory_space<vmem>>, vector<16xf32>,
      %get3A_226 = vector.shape_cast %get3A_225 : vector<16xf32> to vector<16xf32>
      %get3A_227 = arith.index_cast %mul3A_223 : i32 to index
      %get3A_228 = tpu.vector_load %arg7[%get3A_227] {strides = array<i32>} : memref<512xf32, #tpu.memory_space<vmem>>, vector<16xf32>,
      %get3A_229 = vector.shape_cast %get3A_228 : vector<16xf32> to vector<16xf32>
      %ge3A_230 = arith.cmpf oge, %get3A_226, %get3A_229 : vector<16xf32>
      %select_n3A_231 = arith.select %ge3A_230, %broadcast_in_dim3A_1, %broadcast_in_dim3A_3 : vector<16xi1>, vector<16xf32>
      %swap3A_232 = arith.index_cast %mul3A_223 : i32 to index
      %swap3A_233 = tpu.vector_load %arg8[%swap3A_232] {strides = array<i32>} : memref<512xf32, #tpu.memory_space<vmem>>, vector<16xf32>,
      %swap3A_234 = vector.shape_cast %swap3A_233 : vector<16xf32> to vector<16xf32>
      %swap3A_235 = vector.shape_cast %select_n3A_231 : vector<16xf32> to vector<16xf32>
      tpu.vector_store %arg8[%swap3A_232], %swap3A_235 {strides = array<i32>} : memref<512xf32, #tpu.memory_space<vmem>>, vector<16xf32>,
      %sub3A_236 = arith.subf %broadcast_in_dim3A_1, %select_n3A_231 : vector<16xf32>
      %swap3A_237 = arith.index_cast %mul3A_223 : i32 to index
      %swap3A_238 = tpu.vector_load %arg9[%swap3A_237] {strides = array<i32>} : memref<512xf32, #tpu.memory_space<vmem>>, vector<16xf32>,
      %swap3A_239 = vector.shape_cast %swap3A_238 : vector<16xf32> to vector<16xf32>
      %swap3A_240 = vector.shape_cast %sub3A_236 : vector<16xf32> to vector<16xf32>
      tpu.vector_store %arg9[%swap3A_237], %swap3A_240 {strides = array<i32>} : memref<512xf32, #tpu.memory_space<vmem>>, vector<16xf32>,
      %add3A_241 = arith.addf %add3A_217, %select_n3A_231 : vector<16xf32>
      %mul3A_242 = arith.constant 8 : i32
      %mul3A_243 = arith.muli %scan3A_75, %mul3A_242 : i32
      %add3A_244 = arith.constant 7 : i32
      %add3A_245 = arith.addi %mul3A_243, %add3A_244 : i32
      %mul3A_246 = arith.constant 16 : i32
      %mul3A_247 = arith.muli %add3A_245, %mul3A_246 : i32
      %get3A_248 = arith.index_cast %mul3A_247 : i32 to index
      %get3A_249 = tpu.vector_load %arg6[%get3A_248] {strides = array<i32>} : memref<512xf32, #tpu.memory_space<vmem>>, vector<16xf32>,
      %get3A_250 = vector.shape_cast %get3A_249 : vector<16xf32> to vector<16xf32>
      %get3A_251 = arith.index_cast %mul3A_247 : i32 to index
      %get3A_252 = tpu.vector_load %arg7[%get3A_251] {strides = array<i32>} : memref<512xf32, #tpu.memory_space<vmem>>, vector<16xf32>,
      %get3A_253 = vector.shape_cast %get3A_252 : vector<16xf32> to vector<16xf32>
      %ge3A_254 = arith.cmpf oge, %get3A_250, %get3A_253 : vector<16xf32>
      %select_n3A_255 = arith.select %ge3A_254, %broadcast_in_dim3A_1, %broadcast_in_dim3A_3 : vector<16xi1>, vector<16xf32>
      %swap3A_256 = arith.index_cast %mul3A_247 : i32 to index
      %swap3A_257 = tpu.vector_load %arg8[%swap3A_256] {strides = array<i32>} : memref<512xf32, #tpu.memory_space<vmem>>, vector<16xf32>,
      %swap3A_258 = vector.shape_cast %swap3A_257 : vector<16xf32> to vector<16xf32>
      %swap3A_259 = vector.shape_cast %select_n3A_255 : vector<16xf32> to vector<16xf32>
      tpu.vector_store %arg8[%swap3A_256], %swap3A_259 {strides = array<i32>} : memref<512xf32, #tpu.memory_space<vmem>>, vector<16xf32>,
      %sub3A_260 = arith.subf %broadcast_in_dim3A_1, %select_n3A_255 : vector<16xf32>
      %swap3A_261 = arith.index_cast %mul3A_247 : i32 to index
      %swap3A_262 = tpu.vector_load %arg9[%swap3A_261] {strides = array<i32>} : memref<512xf32, #tpu.memory_space<vmem>>, vector<16xf32>,
      %swap3A_263 = vector.shape_cast %swap3A_262 : vector<16xf32> to vector<16xf32>
      %swap3A_264 = vector.shape_cast %sub3A_260 : vector<16xf32> to vector<16xf32>
      tpu.vector_store %arg9[%swap3A_261], %swap3A_264 {strides = array<i32>} : memref<512xf32, #tpu.memory_space<vmem>>, vector<16xf32>,
      %add3A_265 = arith.addf %add3A_241, %select_n3A_255 : vector<16xf32>
      scf.yield %add3A_265 : vector<16xf32>
    }
    %scan3A_14 = arith.constant 4 : i32
    %ne3A = arith.constant 10 : i32
    %ne3A_15 = arith.cmpi ne, %arg1, %ne3A : i32
    %convert_element_type3A = arith.extui %ne3A_15 : i1 to i32
    %cond3A = arith.constant 0 : i32
    %cond3A_16 = arith.cmpi ne, %convert_element_type3A, %cond3A : i32
    scf.if %cond3A_16 {
      %dma_start3A_75 = tpu.memref_slice %arg4[%mul3A_0] : memref<8192xf32, #tpu.memory_space<hbm>> -> memref<512xf32, #tpu.memory_space<hbm>>
      %dma_start3A_76 = tpu.memref_slice %arg4[%mul3A_0] : memref<8192xf32, #tpu.memory_space<hbm>> -> memref<512xf32, #tpu.memory_space<hbm>>
      tpu.enqueue_dma source(%arg8 : memref<512xf32, #tpu.memory_space<vmem>>) target(%dma_start3A_76 : memref<512xf32, #tpu.memory_space<hbm>>) target_semaphore(%arg14 : memref<!tpu.dma_semaphore, #tpu.memory_space<semaphore_mem>>)
      %dma_start3A_77 = tpu.memref_slice %arg5[%mul3A_0] : memref<8192xf32, #tpu.memory_space<hbm>> -> memref<512xf32, #tpu.memory_space<hbm>>
      %dma_start3A_78 = tpu.memref_slice %arg5[%mul3A_0] : memref<8192xf32, #tpu.memory_space<hbm>> -> memref<512xf32, #tpu.memory_space<hbm>>
      tpu.enqueue_dma source(%arg9 : memref<512xf32, #tpu.memory_space<vmem>>) target(%dma_start3A_78 : memref<512xf32, #tpu.memory_space<hbm>>) target_semaphore(%arg14 : memref<!tpu.dma_semaphore, #tpu.memory_space<semaphore_mem>>)
    } else {
    }
    %swap3A = arith.constant 0 : index
    %swap3A_17 = tpu.vector_load %arg13[%swap3A] {strides = array<i32>} : memref<32xf32, #tpu.memory_space<vmem>>, vector<16xf32>,
    %swap3A_18 = vector.shape_cast %swap3A_17 : vector<16xf32> to vector<16xf32>
    %swap3A_19 = vector.shape_cast %scan3A_13 : vector<16xf32> to vector<16xf32>
    tpu.vector_store %arg13[%swap3A], %swap3A_19 {strides = array<i32>} : memref<32xf32, #tpu.memory_space<vmem>>, vector<16xf32>,
    %swap3A_20 = arith.constant 16 : index
    %swap3A_21 = tpu.vector_load %arg13[%swap3A_20] {strides = array<i32>} : memref<32xf32, #tpu.memory_space<vmem>>, vector<16xf32>,
    %swap3A_22 = vector.shape_cast %swap3A_21 : vector<16xf32> to vector<16xf32>
    %swap3A_23 = vector.shape_cast %scan3A_13 : vector<16xf32> to vector<16xf32>
    tpu.vector_store %arg13[%swap3A_20], %swap3A_23 {strides = array<i32>} : memref<32xf32, #tpu.memory_space<vmem>>, vector<16xf32>,
    %get3A = arith.constant 8 : index
    %get3A_24 = tpu.vector_load %arg13[%get3A] {strides = array<i32>} : memref<32xf32, #tpu.memory_space<vmem>>, vector<16xf32>,
    %get3A_25 = vector.shape_cast %get3A_24 : vector<16xf32> to vector<16xf32>
    %add3A = arith.addf %scan3A_13, %get3A_25 : vector<16xf32>
    %swap3A_26 = arith.constant 0 : index
    %swap3A_27 = tpu.vector_load %arg13[%swap3A_26] {strides = array<i32>} : memref<32xf32, #tpu.memory_space<vmem>>, vector<16xf32>,
    %swap3A_28 = vector.shape_cast %swap3A_27 : vector<16xf32> to vector<16xf32>
    %swap3A_29 = vector.shape_cast %add3A : vector<16xf32> to vector<16xf32>
    tpu.vector_store %arg13[%swap3A_26], %swap3A_29 {strides = array<i32>} : memref<32xf32, #tpu.memory_space<vmem>>, vector<16xf32>,
    %swap3A_30 = arith.constant 16 : index
    %swap3A_31 = tpu.vector_load %arg13[%swap3A_30] {strides = array<i32>} : memref<32xf32, #tpu.memory_space<vmem>>, vector<16xf32>,
    %swap3A_32 = vector.shape_cast %swap3A_31 : vector<16xf32> to vector<16xf32>
    %swap3A_33 = vector.shape_cast %add3A : vector<16xf32> to vector<16xf32>
    tpu.vector_store %arg13[%swap3A_30], %swap3A_33 {strides = array<i32>} : memref<32xf32, #tpu.memory_space<vmem>>, vector<16xf32>,
    %get3A_34 = arith.constant 4 : index
    %get3A_35 = tpu.vector_load %arg13[%get3A_34] {strides = array<i32>} : memref<32xf32, #tpu.memory_space<vmem>>, vector<16xf32>,
    %get3A_36 = vector.shape_cast %get3A_35 : vector<16xf32> to vector<16xf32>
    %add3A_37 = arith.addf %add3A, %get3A_36 : vector<16xf32>
    %swap3A_38 = arith.constant 0 : index
    %swap3A_39 = tpu.vector_load %arg13[%swap3A_38] {strides = array<i32>} : memref<32xf32, #tpu.memory_space<vmem>>, vector<16xf32>,
    %swap3A_40 = vector.shape_cast %swap3A_39 : vector<16xf32> to vector<16xf32>
    %swap3A_41 = vector.shape_cast %add3A_37 : vector<16xf32> to vector<16xf32>
    tpu.vector_store %arg13[%swap3A_38], %swap3A_41 {strides = array<i32>} : memref<32xf32, #tpu.memory_space<vmem>>, vector<16xf32>,
    %swap3A_42 = arith.constant 16 : index
    %swap3A_43 = tpu.vector_load %arg13[%swap3A_42] {strides = array<i32>} : memref<32xf32, #tpu.memory_space<vmem>>, vector<16xf32>,
    %swap3A_44 = vector.shape_cast %swap3A_43 : vector<16xf32> to vector<16xf32>
    %swap3A_45 = vector.shape_cast %add3A_37 : vector<16xf32> to vector<16xf32>
    tpu.vector_store %arg13[%swap3A_42], %swap3A_45 {strides = array<i32>} : memref<32xf32, #tpu.memory_space<vmem>>, vector<16xf32>,
    %get3A_46 = arith.constant 2 : index
    %get3A_47 = tpu.vector_load %arg13[%get3A_46] {strides = array<i32>} : memref<32xf32, #tpu.memory_space<vmem>>, vector<16xf32>,
    %get3A_48 = vector.shape_cast %get3A_47 : vector<16xf32> to vector<16xf32>
    %add3A_49 = arith.addf %add3A_37, %get3A_48 : vector<16xf32>
    %swap3A_50 = arith.constant 0 : index
    %swap3A_51 = tpu.vector_load %arg13[%swap3A_50] {strides = array<i32>} : memref<32xf32, #tpu.memory_space<vmem>>, vector<16xf32>,
    %swap3A_52 = vector.shape_cast %swap3A_51 : vector<16xf32> to vector<16xf32>
    %swap3A_53 = vector.shape_cast %add3A_49 : vector<16xf32> to vector<16xf32>
    tpu.vector_store %arg13[%swap3A_50], %swap3A_53 {strides = array<i32>} : memref<32xf32, #tpu.memory_space<vmem>>, vector<16xf32>,
    %swap3A_54 = arith.constant 16 : index
    %swap3A_55 = tpu.vector_load %arg13[%swap3A_54] {strides = array<i32>} : memref<32xf32, #tpu.memory_space<vmem>>, vector<16xf32>,
    %swap3A_56 = vector.shape_cast %swap3A_55 : vector<16xf32> to vector<16xf32>
    %swap3A_57 = vector.shape_cast %add3A_49 : vector<16xf32> to vector<16xf32>
    tpu.vector_store %arg13[%swap3A_54], %swap3A_57 {strides = array<i32>} : memref<32xf32, #tpu.memory_space<vmem>>, vector<16xf32>,
    %get3A_58 = arith.constant 1 : index
    %get3A_59 = tpu.vector_load %arg13[%get3A_58] {strides = array<i32>} : memref<32xf32, #tpu.memory_space<vmem>>, vector<16xf32>,
    %get3A_60 = vector.shape_cast %get3A_59 : vector<16xf32> to vector<16xf32>
    %add3A_61 = arith.addf %add3A_49, %get3A_60 : vector<16xf32>
    %swap3A_62 = arith.constant 0 : index
    %swap3A_63 = tpu.vector_load %arg10[%swap3A_62] {strides = array<i32>} : memref<16xf32, #tpu.memory_space<vmem>>, vector<16xf32>,
    %swap3A_64 = vector.shape_cast %swap3A_63 : vector<16xf32> to vector<16xf32>
    %swap3A_65 = vector.shape_cast %add3A_61 : vector<16xf32> to vector<16xf32>
    tpu.vector_store %arg10[%swap3A_62], %swap3A_65 {strides = array<i32>} : memref<16xf32, #tpu.memory_space<vmem>>, vector<16xf32>,
    "tpu.region"() ({
      %run_scoped3A = tpu.sem_alloc : memref<!tpu.dma_semaphore, #tpu.memory_space<semaphore_mem>>
      %dma_start3A_75 = arith.constant 0 : i32
      %dma_start3A_76 = tpu.memref_slice %arg11[%arg1, %dma_start3A_75] : memref<16x16xf32, #tpu.memory_space<vmem_shared>> -> memref<1x16xf32, #tpu.memory_space<vmem_shared>>
      %dma_start3A_77 = tpu.memref_squeeze %dma_start3A_76 : memref<1x16xf32, #tpu.memory_space<vmem_shared>> -> memref<16xf32, #tpu.memory_space<vmem_shared>>
      %dma_start3A_78 = arith.constant 0 : i32
      %dma_start3A_79 = tpu.memref_slice %arg11[%arg1, %dma_start3A_78] : memref<16x16xf32, #tpu.memory_space<vmem_shared>> -> memref<1x16xf32, #tpu.memory_space<vmem_shared>>
      %dma_start3A_80 = tpu.memref_squeeze %dma_start3A_79 : memref<1x16xf32, #tpu.memory_space<vmem_shared>> -> memref<16xf32, #tpu.memory_space<vmem_shared>>
      tpu.enqueue_dma source(%arg10 : memref<16xf32, #tpu.memory_space<vmem>>) target(%dma_start3A_80 : memref<16xf32, #tpu.memory_space<vmem_shared>>) target_semaphore(%run_scoped3A : memref<!tpu.dma_semaphore, #tpu.memory_space<semaphore_mem>>)
      %dma_wait3A_81 = arith.constant 0 : i32
      %dma_wait3A_82 = tpu.memref_slice %arg11[%arg1, %dma_wait3A_81] : memref<16x16xf32, #tpu.memory_space<vmem_shared>> -> memref<1x16xf32, #tpu.memory_space<vmem_shared>>
      %dma_wait3A_83 = tpu.memref_squeeze %dma_wait3A_82 : memref<1x16xf32, #tpu.memory_space<vmem_shared>> -> memref<16xf32, #tpu.memory_space<vmem_shared>>
      %dma_wait3A_84 = arith.constant 0 : i32
      %dma_wait3A_85 = tpu.memref_slice %arg11[%arg1, %dma_wait3A_84] : memref<16x16xf32, #tpu.memory_space<vmem_shared>> -> memref<1x16xf32, #tpu.memory_space<vmem_shared>>
      %dma_wait3A_86 = tpu.memref_squeeze %dma_wait3A_85 : memref<1x16xf32, #tpu.memory_space<vmem_shared>> -> memref<16xf32, #tpu.memory_space<vmem_shared>>
      tpu.wait_dma2 semaphore(%run_scoped3A : memref<!tpu.dma_semaphore, #tpu.memory_space<semaphore_mem>>) src(%arg10 : memref<16xf32, #tpu.memory_space<vmem>>) dst(%dma_wait3A_86 : memref<16xf32, #tpu.memory_space<vmem_shared>>)
      tpu.yield
    }) : () -> ()
    %barrier3A = arith.constant 0 : index
    tpu.barrier barrier_id(%barrier3A)
    %ne3A_66 = arith.constant 10 : i32
    %ne3A_67 = arith.cmpi ne, %arg1, %ne3A_66 : i32
    %convert_element_type3A_68 = arith.extui %ne3A_67 : i1 to i32
    %cond3A_69 = arith.constant 0 : i32
    %cond3A_70 = arith.cmpi ne, %convert_element_type3A_68, %cond3A_69 : i32
    scf.if %cond3A_70 {
      %dma_wait3A_75 = tpu.memref_slice %arg4[%mul3A_0] : memref<8192xf32, #tpu.memory_space<hbm>> -> memref<512xf32, #tpu.memory_space<hbm>>
      %dma_wait3A_76 = tpu.memref_slice %arg4[%mul3A_0] : memref<8192xf32, #tpu.memory_space<hbm>> -> memref<512xf32, #tpu.memory_space<hbm>>
      tpu.wait_dma2 semaphore(%arg14 : memref<!tpu.dma_semaphore, #tpu.memory_space<semaphore_mem>>) src(%arg8 : memref<512xf32, #tpu.memory_space<vmem>>) dst(%dma_wait3A_76 : memref<512xf32, #tpu.memory_space<hbm>>)
      %dma_wait3A_77 = tpu.memref_slice %arg5[%mul3A_0] : memref<8192xf32, #tpu.memory_space<hbm>> -> memref<512xf32, #tpu.memory_space<hbm>>
      %dma_wait3A_78 = tpu.memref_slice %arg5[%mul3A_0] : memref<8192xf32, #tpu.memory_space<hbm>> -> memref<512xf32, #tpu.memory_space<hbm>>
      tpu.wait_dma2 semaphore(%arg14 : memref<!tpu.dma_semaphore, #tpu.memory_space<semaphore_mem>>) src(%arg9 : memref<512xf32, #tpu.memory_space<vmem>>) dst(%dma_wait3A_78 : memref<512xf32, #tpu.memory_space<hbm>>)
    } else {
    }
    %eq3A = arith.constant 10 : i32
    %eq3A_71 = arith.cmpi eq, %arg1, %eq3A : i32
    %convert_element_type3A_72 = arith.extui %eq3A_71 : i1 to i32
    %cond3A_73 = arith.constant 0 : i32
    %cond3A_74 = arith.cmpi ne, %convert_element_type3A_72, %cond3A_73 : i32
    scf.if %cond3A_74 {
      "tpu.region"() ({
        %run_scoped3A = tpu.sem_alloc : memref<!tpu.dma_semaphore, #tpu.memory_space<semaphore_mem>>
        tpu.enqueue_dma source(%arg11 : memref<16x16xf32, #tpu.memory_space<vmem_shared>>) target(%arg12 : memref<16x16xf32, #tpu.memory_space<vmem>>) target_semaphore(%run_scoped3A : memref<!tpu.dma_semaphore, #tpu.memory_space<semaphore_mem>>)
        tpu.wait_dma2 semaphore(%run_scoped3A : memref<!tpu.dma_semaphore, #tpu.memory_space<semaphore_mem>>) src(%arg11 : memref<16x16xf32, #tpu.memory_space<vmem_shared>>) dst(%arg12 : memref<16x16xf32, #tpu.memory_space<vmem>>)
        tpu.yield
      }) : () -> ()
      %get3A_75 = arith.constant 0 : i32
      %get3A_76 = arith.index_cast %get3A_75 : i32 to index
      %get3A_77 = arith.constant 0 : index
      %get3A_78 = tpu.vector_load %arg12[%get3A_76, %get3A_77] {strides = array<i32>} : memref<16x16xf32, #tpu.memory_space<vmem>>, vector<1x16xf32>,
      %get3A_79 = vector.shape_cast %get3A_78 : vector<1x16xf32> to vector<16xf32>
      %add3A_80 = arith.addf %broadcast_in_dim3A_3, %get3A_79 : vector<16xf32>
      %get3A_81 = arith.constant 1 : i32
      %get3A_82 = arith.index_cast %get3A_81 : i32 to index
      %get3A_83 = arith.constant 0 : index
      %get3A_84 = tpu.vector_load %arg12[%get3A_82, %get3A_83] {strides = array<i32>} : memref<16x16xf32, #tpu.memory_space<vmem>>, vector<1x16xf32>,
      %get3A_85 = vector.shape_cast %get3A_84 : vector<1x16xf32> to vector<16xf32>
      %add3A_86 = arith.addf %add3A_80, %get3A_85 : vector<16xf32>
      %get3A_87 = arith.constant 2 : i32
      %get3A_88 = arith.index_cast %get3A_87 : i32 to index
      %get3A_89 = arith.constant 0 : index
      %get3A_90 = tpu.vector_load %arg12[%get3A_88, %get3A_89] {strides = array<i32>} : memref<16x16xf32, #tpu.memory_space<vmem>>, vector<1x16xf32>,
      %get3A_91 = vector.shape_cast %get3A_90 : vector<1x16xf32> to vector<16xf32>
      %add3A_92 = arith.addf %add3A_86, %get3A_91 : vector<16xf32>
      %get3A_93 = arith.constant 3 : i32
      %get3A_94 = arith.index_cast %get3A_93 : i32 to index
      %get3A_95 = arith.constant 0 : index
      %get3A_96 = tpu.vector_load %arg12[%get3A_94, %get3A_95] {strides = array<i32>} : memref<16x16xf32, #tpu.memory_space<vmem>>, vector<1x16xf32>,
      %get3A_97 = vector.shape_cast %get3A_96 : vector<1x16xf32> to vector<16xf32>
      %add3A_98 = arith.addf %add3A_92, %get3A_97 : vector<16xf32>
      %get3A_99 = arith.constant 4 : i32
      %get3A_100 = arith.index_cast %get3A_99 : i32 to index
      %get3A_101 = arith.constant 0 : index
      %get3A_102 = tpu.vector_load %arg12[%get3A_100, %get3A_101] {strides = array<i32>} : memref<16x16xf32, #tpu.memory_space<vmem>>, vector<1x16xf32>,
      %get3A_103 = vector.shape_cast %get3A_102 : vector<1x16xf32> to vector<16xf32>
      %add3A_104 = arith.addf %add3A_98, %get3A_103 : vector<16xf32>
      %get3A_105 = arith.constant 5 : i32
      %get3A_106 = arith.index_cast %get3A_105 : i32 to index
      %get3A_107 = arith.constant 0 : index
      %get3A_108 = tpu.vector_load %arg12[%get3A_106, %get3A_107] {strides = array<i32>} : memref<16x16xf32, #tpu.memory_space<vmem>>, vector<1x16xf32>,
      %get3A_109 = vector.shape_cast %get3A_108 : vector<1x16xf32> to vector<16xf32>
      %add3A_110 = arith.addf %add3A_104, %get3A_109 : vector<16xf32>
      %get3A_111 = arith.constant 6 : i32
      %get3A_112 = arith.index_cast %get3A_111 : i32 to index
      %get3A_113 = arith.constant 0 : index
      %get3A_114 = tpu.vector_load %arg12[%get3A_112, %get3A_113] {strides = array<i32>} : memref<16x16xf32, #tpu.memory_space<vmem>>, vector<1x16xf32>,
      %get3A_115 = vector.shape_cast %get3A_114 : vector<1x16xf32> to vector<16xf32>
      %add3A_116 = arith.addf %add3A_110, %get3A_115 : vector<16xf32>
      %get3A_117 = arith.constant 7 : i32
      %get3A_118 = arith.index_cast %get3A_117 : i32 to index
      %get3A_119 = arith.constant 0 : index
      %get3A_120 = tpu.vector_load %arg12[%get3A_118, %get3A_119] {strides = array<i32>} : memref<16x16xf32, #tpu.memory_space<vmem>>, vector<1x16xf32>,
      %get3A_121 = vector.shape_cast %get3A_120 : vector<1x16xf32> to vector<16xf32>
      %add3A_122 = arith.addf %add3A_116, %get3A_121 : vector<16xf32>
      %get3A_123 = arith.constant 8 : i32
      %get3A_124 = arith.index_cast %get3A_123 : i32 to index
      %get3A_125 = arith.constant 0 : index
      %get3A_126 = tpu.vector_load %arg12[%get3A_124, %get3A_125] {strides = array<i32>} : memref<16x16xf32, #tpu.memory_space<vmem>>, vector<1x16xf32>,
      %get3A_127 = vector.shape_cast %get3A_126 : vector<1x16xf32> to vector<16xf32>
      %add3A_128 = arith.addf %add3A_122, %get3A_127 : vector<16xf32>
      %get3A_129 = arith.constant 9 : i32
      %get3A_130 = arith.index_cast %get3A_129 : i32 to index
      %get3A_131 = arith.constant 0 : index
      %get3A_132 = tpu.vector_load %arg12[%get3A_130, %get3A_131] {strides = array<i32>} : memref<16x16xf32, #tpu.memory_space<vmem>>, vector<1x16xf32>,
      %get3A_133 = vector.shape_cast %get3A_132 : vector<1x16xf32> to vector<16xf32>
      %add3A_134 = arith.addf %add3A_128, %get3A_133 : vector<16xf32>
      %get3A_135 = arith.constant 10 : i32
      %get3A_136 = arith.index_cast %get3A_135 : i32 to index
      %get3A_137 = arith.constant 0 : index
      %get3A_138 = tpu.vector_load %arg12[%get3A_136, %get3A_137] {strides = array<i32>} : memref<16x16xf32, #tpu.memory_space<vmem>>, vector<1x16xf32>,
      %get3A_139 = vector.shape_cast %get3A_138 : vector<1x16xf32> to vector<16xf32>
      %add3A_140 = arith.addf %add3A_134, %get3A_139 : vector<16xf32>
      %get3A_141 = arith.constant 11 : i32
      %get3A_142 = arith.index_cast %get3A_141 : i32 to index
      %get3A_143 = arith.constant 0 : index
      %get3A_144 = tpu.vector_load %arg12[%get3A_142, %get3A_143] {strides = array<i32>} : memref<16x16xf32, #tpu.memory_space<vmem>>, vector<1x16xf32>,
      %get3A_145 = vector.shape_cast %get3A_144 : vector<1x16xf32> to vector<16xf32>
      %add3A_146 = arith.addf %add3A_140, %get3A_145 : vector<16xf32>
      %get3A_147 = arith.constant 12 : i32
      %get3A_148 = arith.index_cast %get3A_147 : i32 to index
      %get3A_149 = arith.constant 0 : index
      %get3A_150 = tpu.vector_load %arg12[%get3A_148, %get3A_149] {strides = array<i32>} : memref<16x16xf32, #tpu.memory_space<vmem>>, vector<1x16xf32>,
      %get3A_151 = vector.shape_cast %get3A_150 : vector<1x16xf32> to vector<16xf32>
      %add3A_152 = arith.addf %add3A_146, %get3A_151 : vector<16xf32>
      %get3A_153 = arith.constant 13 : i32
      %get3A_154 = arith.index_cast %get3A_153 : i32 to index
      %get3A_155 = arith.constant 0 : index
      %get3A_156 = tpu.vector_load %arg12[%get3A_154, %get3A_155] {strides = array<i32>} : memref<16x16xf32, #tpu.memory_space<vmem>>, vector<1x16xf32>,
      %get3A_157 = vector.shape_cast %get3A_156 : vector<1x16xf32> to vector<16xf32>
      %add3A_158 = arith.addf %add3A_152, %get3A_157 : vector<16xf32>
      %get3A_159 = arith.constant 14 : i32
      %get3A_160 = arith.index_cast %get3A_159 : i32 to index
      %get3A_161 = arith.constant 0 : index
      %get3A_162 = tpu.vector_load %arg12[%get3A_160, %get3A_161] {strides = array<i32>} : memref<16x16xf32, #tpu.memory_space<vmem>>, vector<1x16xf32>,
      %get3A_163 = vector.shape_cast %get3A_162 : vector<1x16xf32> to vector<16xf32>
      %add3A_164 = arith.addf %add3A_158, %get3A_163 : vector<16xf32>
      %get3A_165 = arith.constant 15 : i32
      %get3A_166 = arith.index_cast %get3A_165 : i32 to index
      %get3A_167 = arith.constant 0 : index
      %get3A_168 = tpu.vector_load %arg12[%get3A_166, %get3A_167] {strides = array<i32>} : memref<16x16xf32, #tpu.memory_space<vmem>>, vector<1x16xf32>,
      %get3A_169 = vector.shape_cast %get3A_168 : vector<1x16xf32> to vector<16xf32>
      %add3A_170 = arith.addf %add3A_164, %get3A_169 : vector<16xf32>
      %broadcast_in_dim3A_171 = arith.constant 8.192000e+03 : f32
      %broadcast_in_dim3A_172 = vector.broadcast %broadcast_in_dim3A_171 : f32 to vector<16xf32>
      %eq3A_173 = arith.cmpf oeq, %add3A_170, %broadcast_in_dim3A_172 : vector<16xf32>
      %eq3A_174 = arith.cmpf oeq, %add3A_170, %broadcast_in_dim3A_3 : vector<16xf32>
      %or3A = arith.ori %eq3A_173, %eq3A_174 : vector<16xi1>
      %eq3A_175 = arith.constant 4 : i32
      %eq3A_176 = vector.broadcast %eq3A_175 : i32 to vector<16xi32>
      %eq3A_177 = arith.cmpi eq, %iota3A, %eq3A_176 : vector<16xi32>
      %and3A = arith.andi %or3A, %eq3A_177 : vector<16xi1>
      %get3A_178 = arith.constant 192 : index
      %get3A_179 = tpu.vector_load %arg8[%get3A_178] {strides = array<i32>} : memref<512xf32, #tpu.memory_space<vmem>>, vector<16xf32>,
      %get3A_180 = vector.shape_cast %get3A_179 : vector<16xf32> to vector<16xf32>
      %get3A_181 = arith.constant 192 : index
      %get3A_182 = tpu.vector_load %arg9[%get3A_181] {strides = array<i32>} : memref<512xf32, #tpu.memory_space<vmem>>, vector<16xf32>,
      %get3A_183 = vector.shape_cast %get3A_182 : vector<16xf32> to vector<16xf32>
      %select_n3A = arith.select %and3A, %get3A_183, %get3A_180 : vector<16xi1>, vector<16xf32>
      %swap3A_184 = arith.constant 192 : index
      %swap3A_185 = tpu.vector_load %arg8[%swap3A_184] {strides = array<i32>} : memref<512xf32, #tpu.memory_space<vmem>>, vector<16xf32>,
      %swap3A_186 = vector.shape_cast %swap3A_185 : vector<16xf32> to vector<16xf32>
      %swap3A_187 = vector.shape_cast %select_n3A : vector<16xf32> to vector<16xf32>
      tpu.vector_store %arg8[%swap3A_184], %swap3A_187 {strides = array<i32>} : memref<512xf32, #tpu.memory_space<vmem>>, vector<16xf32>,
      %select_n3A_188 = arith.select %and3A, %get3A_180, %get3A_183 : vector<16xi1>, vector<16xf32>
      %swap3A_189 = arith.constant 192 : index
      %swap3A_190 = tpu.vector_load %arg9[%swap3A_189] {strides = array<i32>} : memref<512xf32, #tpu.memory_space<vmem>>, vector<16xf32>,
      %swap3A_191 = vector.shape_cast %swap3A_190 : vector<16xf32> to vector<16xf32>
      %swap3A_192 = vector.shape_cast %select_n3A_188 : vector<16xf32> to vector<16xf32>
      tpu.vector_store %arg9[%swap3A_189], %swap3A_192 {strides = array<i32>} : memref<512xf32, #tpu.memory_space<vmem>>, vector<16xf32>,
      %dma_start3A_193 = tpu.memref_slice %arg4[%mul3A_0] : memref<8192xf32, #tpu.memory_space<hbm>> -> memref<512xf32, #tpu.memory_space<hbm>>
      %dma_start3A_194 = tpu.memref_slice %arg4[%mul3A_0] : memref<8192xf32, #tpu.memory_space<hbm>> -> memref<512xf32, #tpu.memory_space<hbm>>
      tpu.enqueue_dma source(%arg8 : memref<512xf32, #tpu.memory_space<vmem>>) target(%dma_start3A_194 : memref<512xf32, #tpu.memory_space<hbm>>) target_semaphore(%arg14 : memref<!tpu.dma_semaphore, #tpu.memory_space<semaphore_mem>>)
      %dma_start3A_195 = tpu.memref_slice %arg5[%mul3A_0] : memref<8192xf32, #tpu.memory_space<hbm>> -> memref<512xf32, #tpu.memory_space<hbm>>
      %dma_start3A_196 = tpu.memref_slice %arg5[%mul3A_0] : memref<8192xf32, #tpu.memory_space<hbm>> -> memref<512xf32, #tpu.memory_space<hbm>>
      tpu.enqueue_dma source(%arg9 : memref<512xf32, #tpu.memory_space<vmem>>) target(%dma_start3A_196 : memref<512xf32, #tpu.memory_space<hbm>>) target_semaphore(%arg14 : memref<!tpu.dma_semaphore, #tpu.memory_space<semaphore_mem>>)
      %dma_wait3A_197 = tpu.memref_slice %arg4[%mul3A_0] : memref<8192xf32, #tpu.memory_space<hbm>> -> memref<512xf32, #tpu.memory_space<hbm>>
      %dma_wait3A_198 = tpu.memref_slice %arg4[%mul3A_0] : memref<8192xf32, #tpu.memory_space<hbm>> -> memref<512xf32, #tpu.memory_space<hbm>>
      tpu.wait_dma2 semaphore(%arg14 : memref<!tpu.dma_semaphore, #tpu.memory_space<semaphore_mem>>) src(%arg8 : memref<512xf32, #tpu.memory_space<vmem>>) dst(%dma_wait3A_198 : memref<512xf32, #tpu.memory_space<hbm>>)
      %dma_wait3A_199 = tpu.memref_slice %arg5[%mul3A_0] : memref<8192xf32, #tpu.memory_space<hbm>> -> memref<512xf32, #tpu.memory_space<hbm>>
      %dma_wait3A_200 = tpu.memref_slice %arg5[%mul3A_0] : memref<8192xf32, #tpu.memory_space<hbm>> -> memref<512xf32, #tpu.memory_space<hbm>>
      tpu.wait_dma2 semaphore(%arg14 : memref<!tpu.dma_semaphore, #tpu.memory_space<semaphore_mem>>) src(%arg9 : memref<512xf32, #tpu.memory_space<vmem>>) dst(%dma_wait3A_200 : memref<512xf32, #tpu.memory_space<hbm>>)
    } else {
    }
    return
  }
}

</mosaic_0001>

<sc_bundles>
// kernel: me_gated_balance_mask.3.cloned.1.call-start
scs
__scs_entry_jumppad:
0x0: {  	(pc) =	sbr.rel $0x88, $3  }
0x1: {  	(tag) =	ssettag $0x0;
	lr =	simm.s32 $0x1  }
0x2: {  	[smem:$0x3F9F] =	sst lr;
	_ =	strace $0xD0000000  }
0x3: {  	_ = 	snop  }
0x4: {  	_ = 	snop  }
0x5: {  	_ = 	snop  }
0x6: {  	_ = 	snop  }
0x7: {  	_ = 	snop  }
__scs_overlays_trampoline_lowered:
0x8: {  	[smem:$0x3FAE] =	sst s0  }
0x9: {  	[smem:$0x3FAF] =	sst s1  }
0xa: {  	[smem:$0x3FB0] =	sst s2  }
0xb: {  	[smem:$0x3FB1] =	sst s3  }
0xc: {  	[smem:$0x3FB2] =	sst s4  }
0xd: {  	[smem:$0x3FB3] =	sst s5  }
0xe: {  	[smem:$0x3FB4] =	sst s6  }
0xf: {  	[smem:$0x3FB5] =	sst s7  }
0x10: {  	[smem:$0x3FB6] =	sst s8  }
0x11: {  	[smem:$0x3FB7] =	sst s9;
	s0 =	simm.s32 @!p0 $0x0  }
0x12: {  	s1 =	sld [smem:$0x3F9D];
	s0 =	simm.s32 @p0 $0x1  }
0x13: {  	[smem:$0x3FB8] =	sst s0;
	s0 =	simm.s32 @!p1 $0x0  }
0x14: {  	s2 =	sld [smem:$0x3F9C];
	s0 =	simm.s32 @p1 $0x1  }
0x15: {  	[smem:$0x3FB9] =	sst s0;
	s0 =	simm.s32 @!p2 $0x0  }
0x16: {  	s3 =	sld [smem:$0x3FDB];
	s0 =	simm.s32 @p2 $0x1  }
0x17: {  	s4 =	simm.s32 $0x1BF5;
	[smem:$0x3FBB] =	sst s0  }
0x18: {  	s0 =	sld [smem:$0x3F9E];
	_ =	swait.ge [sflag:s4], $0x0  }
0x19: {  	s7 =	sld [smem:$0x3F9F]  }
0x1a: {  	s8 =	sadd.s32 $0xFFFFE003, lr  }
0x1b: {  	s9 =	sadd.s32 $0xFFFFFEF7, lr;
	s5 =	simm.s32 $0xFFFFFFFF;
	p2 =	slt.u32 s8, $0xFFFFF086  }
0x1c: {  	p1 =	slt.u32 s9, $0xF7A;
	s5 =	simm.s32 @!p2 $0x0  }
0x1d: {  	s5 =	simm.s32 @p1 $0x1;
	p0 =	seq.s32 s7, s2  }
0x1e: {  	s7 =	smul.u32 @!p0 $0xF7A, s2;
	p2 =	seq.s32 @!p0 s5, $0x0  }
0x1f: {  	s9 =	smul.u32 $0xF7A, s1;
	s8 =	simm.s32 @!p0 $0x1BF5;
	p2 =	por !p2, p0  }
0x20: {  	[sflag:s8] =	ssyncset.s32 @!p0 $0xFFFFF086;
	s6 =	sadd.s32 @!p0 s3, s7;
	s7 =	simm.s32 @!p0 $0x108  }
0x21: {  	s3 =	sadd.s32 s3, s9;
	s6 =	sadd.s32 @!p0 $0x88, s6;
	s7 =	simm.s32 @p2 $0x1082  }
0x22: {  	[simem:s7], [sflag:s8] =	dma.local @!p0 [hbm:s6], $0xF7A  }
0x23: {  	s9 =	sor.u32 $0xD0000000, s2;
	s6 =	simm.s32 $0x108;
	_ =	swait.ge @!p0 [sflag:s8], $0x0  }
0x24: {  	s3 =	sadd.s32 $0x88, s3;
	s6 =	simm.s32 @!p1 $0x1082;
	[sflag:s4] =	ssyncset.s32 $0xFFFFF086  }
0x25: {  	[simem:s6], [sflag:s4] =	dma.local [hbm:s3], $0xF7A  }
0x26: {  	[smem:$0x3F9F] =	sst s1;
	(tag) =	ssettag s2;
	_ =	strace s9  }
0x27: {  	s1 =	sld [smem:$0x3FAF]  }
0x28: {  	s2 =	sld [smem:$0x3FB0]  }
0x29: {  	s4 =	sld [smem:$0x3FB2]  }
0x2a: {  	p0 =	seq.s32 s5, $0x0;
	s5 =	sld [smem:$0x3FB3]  }
0x2b: {  	s6 =	sld [smem:$0x3FB4]  }
0x2c: {  	s7 =	sld [smem:$0x3FB5]  }
0x2d: {  	s3 =	simm.s32 $0x108;
	s8 =	sld [smem:$0x3FB6]  }
0x2e: {  	s3 =	simm.s32 @!p0 $0x1082;
	s9 =	sld [smem:$0x3FB7]  }
0x2f: {  	lr =	sadd.s32 s0, s3;
	s0 =	sld [smem:$0x3FAE]  }
0x30: {  	s3 =	sld [smem:$0x3FB1]  }
0x31: {  	[smem:$0x3FBA] =	sst s10  }
0x32: {  	s10 =	sld [smem:$0x3FB8];
	_ =	sdelay $0x3  }
0x33: {  	p0 =	seq.s32 s10, $0x1;
	s10 =	sld [smem:$0x3FBA];
	_ =	sdelay $0x3  }
0x34: {  	[smem:$0x3FBA] =	sst s10  }
0x35: {  	s10 =	sld [smem:$0x3FB9];
	_ =	sdelay $0x3  }
0x36: {  	p1 =	seq.s32 s10, $0x1;
	s10 =	sld [smem:$0x3FBA];
	_ =	sdelay $0x3  }
0x37: {  	[smem:$0x3FBA] =	sst s10  }
0x38: {  	s10 =	sld [smem:$0x3FBB]  }
0x39: {  	_ = 	snop;
	(pc) =	sbr.ind lr, $3  }
0x3a: {  	_ = 	snop  }
0x3b: {  	_ = 	snop  }
0x3c: {  	p2 =	seq.s32 s10, $0x1;
	s10 =	sld [smem:$0x3FBA]  }
0x3d: {  	_ =	shalt  }
0x3e: {  	_ =	shalt  }
0x3f: {  	_ =	shalt  }
0x40: {  	_ =	shalt  }
0x41: {  	_ =	shalt  }
0x42: {  	_ =	shalt  }
0x43: {  	_ =	shalt  }
0x44: {  	_ =	shalt  }
0x45: {  	_ =	shalt  }
0x46: {  	_ =	shalt  }
0x47: {  	_ =	shalt  }
0x48: {  	_ =	shalt  }
0x49: {  	_ =	shalt  }
0x4a: {  	_ =	shalt  }
0x4b: {  	_ =	shalt  }
0x4c: {  	_ =	shalt  }
0x4d: {  	_ =	shalt  }
0x4e: {  	_ =	shalt  }
0x4f: {  	_ =	shalt  }
0x50: {  	_ =	shalt  }
0x51: {  	_ =	shalt  }
0x52: {  	_ =	shalt  }
0x53: {  	_ =	shalt  }
0x54: {  	_ =	shalt  }
0x55: {  	_ =	shalt  }
0x56: {  	_ =	shalt  }
0x57: {  	_ =	shalt  }
0x58: {  	_ =	shalt  }
0x59: {  	_ =	shalt  }
0x5a: {  	_ =	shalt  }
0x5b: {  	_ =	shalt  }
0x5c: {  	_ =	shalt  }
0x5d: {  	_ =	shalt  }
0x5e: {  	_ =	shalt  }
0x5f: {  	_ =	shalt  }
0x60: {  	_ =	shalt  }
0x61: {  	_ =	shalt  }
0x62: {  	_ =	shalt  }
0x63: {  	_ =	shalt  }
0x64: {  	_ =	shalt  }
0x65: {  	_ =	shalt  }
0x66: {  	_ =	shalt  }
0x67: {  	_ =	shalt  }
0x68: {  	_ =	shalt  }
0x69: {  	_ =	shalt  }
0x6a: {  	_ =	shalt  }
0x6b: {  	_ =	shalt  }
0x6c: {  	_ =	shalt  }
0x6d: {  	_ =	shalt  }
0x6e: {  	_ =	shalt  }
0x6f: {  	_ =	shalt  }
0x70: {  	_ =	shalt  }
0x71: {  	_ =	shalt  }
0x72: {  	_ =	shalt  }
0x73: {  	_ =	shalt  }
0x74: {  	_ =	shalt  }
0x75: {  	_ =	shalt  }
0x76: {  	_ =	shalt  }
0x77: {  	_ =	shalt  }
0x78: {  	_ =	shalt  }
0x79: {  	_ =	shalt  }
0x7a: {  	_ =	shalt  }
0x7b: {  	_ =	shalt  }
0x7c: {  	_ =	shalt  }
0x7d: {  	_ =	shalt  }
0x7e: {  	_ =	shalt  }
0x7f: {  	_ =	shalt  }
0x80: {  	_ =	shalt  }
0x81: {  	_ =	shalt  }
0x82: {  	_ =	shalt  }
0x83: {  	_ =	shalt  }
0x84: {  	_ =	shalt  }
0x85: {  	_ =	shalt  }
0x86: {  	_ =	shalt  }
0x87: {  	_ =	shalt  }
.Lfunc_end0:
.L_simem_size_0:
called_computation_lowered:
.L_overlay_start_0:
0x88: {  	s0 =	sld [smem:$0x3FD9]  }
0x89: {  	s1 =	sld [smem:$0x3FFE];
	_ =	sdelay $0x3  }
0x8a: {  	s0 =	sadd.s32 s1, s0  }
0x8b: {  	[smem:$0x3FC6] =	sst s0  }
0x8c: {  	_ = 	snop  }
0x8d: {  	s0 =	sld [smem:$0x3FD0];
	_ =	sdelay $0x1  }
0x8e: {  	s14 =	sld [smem:$0x3FC9]  }
0x8f: {  	s3 =	simm.s32 $0xA;
	s4 =	simm.s32 $0x10;
	s2 =	sld [smem:$0x3FC8]  }
0x90: {  	[smem:s4], [sflag:s3] =	dma.local [hbm:s0], $0x1  }
0x91: {  	_ =	swait.eq [sflag:s3], $0x1  }
0x92: {  	[sflag:s3] =	ssyncset.done $0x0  }
0x93: {  	s15 =	sld [smem:$0x10];
	[sflag:s3] =	ssyncadd.s32 $0xFFFFFFFF  }
0x94: {  	s16 =	sld [smem:$0x11];
	(tm) =	ssettm $0x1  }
0x95: {  	s17 =	sld [smem:$0x3FFB];
	_ =	sdelay $0x3  }
0x96: {  	_ =	strace s17  }
0x97: {  	s4 =	sld [smem:$0x3FFC];
	_ =	sdelay $0x3  }
0x98: {  	_ =	strace s4  }
0x99: {  	s4 =	sld [smem:$0x3FFD];
	_ =	sdelay $0x3  }
0x9a: {  	_ =	strace s4  }
0x9b: {  	_ =	strace $0x8FFFFFFF  }
0x9c: {  	s18 =	sld [smem:$0x3FDB];
	_ =	sdelay $0x1  }
0x9d: {  	s5 =	simm.s32 $_scs_section_size  }
0x9e: {  	s6 =	simm.s32 $_size__tile_overlayer_lowered;
	s7 =	simm.s32 $_tile_overlayer_lowered  }
0x9f: {  	s21 =	simm.s32 $0x1BFF;
	s20 =	sshll.u32 s7, $0x1;
	s4 =	sadd.s32 s5, s18  }
0xa0: {  	s8 =	simm.s32 $0x0;
	s19 =	sshll.u32 s6, $0x1;
	s6 =	sadd.s32 s20, s4  }
0xa1: {  	[timem:s8], [sflag:s21] =	dma.local [hbm:s6], s19  }
0xa2: {  	_ =	swait.ge [sflag:s21], s19  }
0xa3: {  	s5 =	ssub.s32 $0x0, s19;
	[sflag:s21] =	ssyncset.done $0x0  }
0xa4: {  	[sflag:s21] =	ssyncadd.s32 s5;
	_ =	sdelay $0x1  }
0xa5: {  	s22 =	simm.s32 $0x1B8B  }
0xa6: {  	_ =	swait.ge [sflag:s22], $0x1  }
0xa7: {  	[sflag:s22] =	ssyncset.done $0x0  }
0xa8: {  	s23 =	simm.s32 $0x1B8E;
	[sflag:s22] =	ssyncadd.s32 $0xFFFFFFFF  }
0xa9: {  	s24 =	simm.s32 $execute0_lowered;
	[smem:$0x3FD2] =	sst s23  }
0xaa: {  	s5 =	sshll.u32 s24, $0x1;
	_ =	strace $0x80000046;
	[dreg:$0x1] =	wrdreg $0xFFFFFFFF  }
0xab: {  	s25 =	simm.s32 $_size_execute0_lowered;
	s4 =	sadd.s32 s4, s5;
	[dreg:$0x0] =	wrdreg $0x0  }
0xac: {  	s5 =	sshll.u32 s25, $0x1;
	[dreg:$0x2] =	wrdreg s4  }
0xad: {  	[dreg:$0x3] =	wrdreg s5  }
0xae: {  	[dreg:$0x4] =	wrdreg $0xC0  }
0xaf: {  	_ =	task [dreg:s8], $0x5FFFF  }
0xb0: {  	[dreg:$0x1] =	wrdreg $0xFFFFFFFF  }
0xb1: {  	[dreg:$0x0] =	wrdreg $0x60  }
0xb2: {  	[dreg:$0x2] =	wrdreg s14  }
0xb3: {  	[dreg:$0x3] =	wrdreg s2  }
0xb4: {  	[dreg:$0x4] =	wrdreg s15  }
0xb5: {  	[dreg:$0x5] =	wrdreg s16  }
0xb6: {  	[dreg:$0x6] =	wrdreg $0x8800  }
0xb7: {  	[dreg:$0x7] =	wrdreg $0x9  }
0xb8: {  	_ =	task.clear_ibuf [dreg:s8], $0x8FFFF;
	_ =	strace $0x90000046  }
0xb9: {  	s26 =	simm.s32 $0x9;
	_ =	strace $0x80000048  }
0xba: {  	_ =	swait.ge [sflag:s26], $0x1  }
0xbb: {  	[sflag:s26] =	ssyncadd.s32 $0xFFFFFFFF  }
0xbc: {  	_ =	strace $0x90000048  }
0xbd: {  	_ =	sfence  }
0xbe: {  	s28 =	sld [smem:$0x0];
	_ =	sdelay $0x1  }
0xbf: {  	s29 =	srdreg.scid  }
0xc0: {  	s30 =	sshll.u32 s29, $0xD;
	s31 =	sshrl.u32 s29, $0x2  }
0xc1: {  	s1 =	sand.u32 $0x1, s29;
	s2 =	sand.u32 $0x4000, s30;
	s0 =	sadd.s32 s31, s28  }
0xc2: {  	s1 =	sor.u32 s2, s1;
	s0 =	sshll.u32 s0, $0x11  }
0xc3: {  	s0 =	sor.u32 s0, s1  }
0xc4: {  	s0 =	sadd.s32 $0x8F2B, s0  }
0xc5: {  	[sflag:s0] =	ssyncadd.remote.s32 $0x1  }
0xc6: {  	_ =	sfence.sel $0xFFFF  }
0xc7: {  	[dreg:$0x0] =	wrdreg $0xFFFFFFFF;
	(pc) =	sbr.abs _section_cstart, $3  }
0xc8: {  	[dreg:$0x1] =	wrdreg $0xFFFFFFFF  }
0xc9: {  	_ =	task.clear_ibuf [dreg:s8], $0x2FFFF;
	_ =	strace $0x9FFFFFFF  }
0xca: {  	(tm) =	ssettm $0x7FFFFFFF  }
0xcb: {  	_ =	shalt  }
tec
execute0_lowered:
.L_overlay_start_1:
0x0: {  	(tag) =	ssettag $0x1  }
0x1: {  	s6 =	rddreg [dreg:$0x0]  }
0x2: {  	s7 =	rddreg [dreg:$0x1]  }
0x3: {  	s4 =	rddreg [dreg:$0x2]  }
0x4: {  	s3 =	rddreg [dreg:$0x3]  }
0x5: {  	s2 =	rddreg [dreg:$0x4];
	s8 =	simm.s32 $0x0;
	s1 =	stileid.u32  }
0x6: {  	[smem:$0x7FF] =	sst s8;
	s5 =	sshll.u32 s1, $0x6  }
0x7: {  	s0 =	rddreg [dreg:$0x5];
	_ =	strace $0x80000047;
	s6 =	sadd.s32 s6, s5  }
0x8: {  	[tilespmem:s8], [sflag:$0x1] =	stream.linear.gather [hbm4b:s6+s8], $0x200, $0x38;
	[tilespmem:$0x1110] =	vst v63  }
0x9: {  	s30 =	simm.s32 $0x200;
	s31 =	simm.s32 $0x1;
	s29 =	sadd.s32 s7, s5  }
0xa: {  	[tilespmem:s30], [sflag:$0x1] =	stream.linear.gather [hbm4b:s29+s8], $0x200, $0x38;
	[tilespmem:$0x1110] =	vst v63  }
0xb: {  	_ =	swait.ge [sflag:s31], $0x200  }
0xc: {  	[sflag:s31] =	ssyncset.done $0x0  }
0xd: {  	[sflag:s31] =	ssyncadd.s32 $0xFFFFFE00  }
0xe: {  	_ =	swait.ge [sflag:s31], $0x200  }
0xf: {  	[sflag:s31] =	ssyncset.done $0x0  }
0x10: {  	s6 =	simm.s32 $0x0;
	[sflag:s31] =	ssyncadd.s32 $0xFFFFFE00  }
0x11: {  	v1 =	vld [tilespmem:s6+$0x0]  }
0x12: {  	v2 =	vld [tilespmem:s6+$0x200]  }
0x13: {  	v3 =	vld [tilespmem:s6+$0x10]  }
0x14: {  	v4 =	vld [tilespmem:s6+$0x210];
	_ =	sdelay $0x3  }
0x15: {  	v0 =	vimm.f32 $0.0e+00;
	vm0 =	vge.f32 v1, v2  }
0x16: {  	v5 =	vld [tilespmem:s6+$0x20];
	v1 =	vsel vm0, $0x3F800000, v0;
	vm0 =	vge.f32 v3, v4  }
0x17: {  	v6 =	vld [tilespmem:s6+$0x220];
	v3 =	vsel vm0, $0x3F800000, v0  }
0x18: {  	v7 =	vld [tilespmem:s6+$0x30];
	v4 =	vsub.f32 $1.000000000e+00, v3  }
0x19: {  	v2 =	vld [tilespmem:s6+$0x230]  }
0x1a: {  	v8 =	vld [tilespmem:s6+$0x40];
	[tilespmem:s6+$0x610] =	vst v4;
	v4 =	vadd.f32 v1, v0  }
0x1b: {  	v10 =	vld [tilespmem:s6+$0x240];
	v9 =	vsub.f32 $1.000000000e+00, v1  }
0x1c: {  	v11 =	vld [tilespmem:s6+$0x250];
	vm0 =	vge.f32 v5, v6;
	[tilespmem:s6+$0x410] =	vst v3;
	v3 =	vadd.f32 v3, v4  }
0x1d: {  	v5 =	vsel vm0, $0x3F800000, v0;
	[tilespmem:s6+$0x600] =	vst v9;
	v9 =	vld [tilespmem:s6+$0x50]  }
0x1e: {  	[tilespmem:s6+$0x400] =	vst v1;
	v6 =	vsub.f32 $1.000000000e+00, v5;
	v1 =	vld [tilespmem:s6+$0x60];
	vm0 =	vge.f32 v7, v2;
	v3 =	vadd.f32 v5, v3  }
0x1f: {  	[tilespmem:s6+$0x420] =	vst v5;
	v4 =	vld [tilespmem:s6+$0x260];
	v5 =	vsel vm0, $0x3F800000, v0  }
0x20: {  	v2 =	vld [tilespmem:s6+$0x70];
	[tilespmem:s6+$0x620] =	vst v6;
	vm0 =	vge.f32 v8, v10;
	v6 =	vsub.f32 $1.000000000e+00, v5;
	v12 =	vadd.f32 v5, v3  }
0x21: {  	s7 =	simm.s32 $0x80;
	[tilespmem:s6+$0x430] =	vst v5;
	v7 =	vsel vm0, $0x3F800000, v0;
	v5 =	vld [tilespmem:s6+$0x270]  }
0x22: {  	s8 =	simm.s32 $0x400;
	vm0 =	vge.f32 v9, v11;
	v3 =	vld [tilespmem:s7+$0x0];
	v8 =	vsub.f32 $1.000000000e+00, v7;
	[tilespmem:s6+$0x630] =	vst v6;
	v6 =	vadd.f32 v7, v12  }
.LBB2_1:
0x23: {  	p0 =	sne.s32 s8, $0x600;
	v9 =	vld [tilespmem:s7+$0x200];
	[tilespmem:s6+$0x440] =	vst v7;
	v7 =	vsel vm0, $0x3F800000, v0  }
0x24: {  	v10 =	vld [tilespmem:s7+$0x10];
	[tilespmem:s6+$0x640] =	vst v8;
	v8 =	vsub.f32 $1.000000000e+00, v7;
	v6 =	vadd.f32 v7, v6;
	vm0 =	vge.f32 v1, v4  }
0x25: {  	v1 =	vld [tilespmem:s7+$0x210];
	[tilespmem:s6+$0x450] =	vst v7;
	v4 =	vsel vm0, $0x3F800000, v0  }
0x26: {  	v7 =	vld [tilespmem:s7+$0x20];
	[tilespmem:s6+$0x650] =	vst v8;
	v8 =	vsub.f32 $1.000000000e+00, v4;
	v6 =	vadd.f32 v4, v6;
	vm0 =	vge.f32 v2, v5  }
0x27: {  	v2 =	vld [tilespmem:s7+$0x220];
	[tilespmem:s6+$0x460] =	vst v4;
	v4 =	vsel vm0, $0x3F800000, v0  }
0x28: {  	vm0 =	vge.f32 v3, v9;
	v3 =	vld [tilespmem:s7+$0x30];
	[tilespmem:s6+$0x660] =	vst v8;
	v5 =	vsub.f32 $1.000000000e+00, v4;
	v6 =	vadd.f32 v4, v6  }
0x29: {  	v8 =	vsel vm0, $0x3F800000, v0;
	v9 =	vld [tilespmem:s7+$0x230];
	[tilespmem:s6+$0x470] =	vst v4  }
0x2a: {  	v4 =	vsub.f32 $1.000000000e+00, v8;
	v6 =	vadd.f32 v8, v6;
	vm0 =	vge.f32 v10, v1;
	v10 =	vld [tilespmem:s7+$0x40];
	[tilespmem:s6+$0x670] =	vst v5;
	s6 =	smov.u32 s7  }
0x2b: {  	[tilespmem:s6+$0x400] =	vst v8;
	v1 =	vsel vm0, $0x3F800000, v0;
	v5 =	vld [tilespmem:s6+$0x240]  }
0x2c: {  	[tilespmem:s6+$0x600] =	vst v4;
	v4 =	vsub.f32 $1.000000000e+00, v1;
	v6 =	vadd.f32 v1, v6;
	vm0 =	vge.f32 v7, v2;
	v11 =	vld [tilespmem:s6+$0x50]  }
0x2d: {  	[tilespmem:s6+$0x410] =	vst v1;
	v2 =	vsel vm0, $0x3F800000, v0;
	v12 =	vld [tilespmem:s6+$0x250]  }
.Ltmp0:
0x2e: {  	[tilespmem:s6+$0x610] =	vst v4;
	v7 =	vsub.f32 $1.000000000e+00, v2;
	v6 =	vadd.f32 v2, v6;
	vm0 =	vge.f32 v3, v9;
	v1 =	vld [tilespmem:s6+$0x60];
	(pc) =	sbr.rel @p0 .LBB2_1-.Ltmp0, $4  }
0x2f: {  	[tilespmem:s6+$0x420] =	vst v2;
	v3 =	vsel vm0, $0x3F800000, v0;
	v4 =	vld [tilespmem:s6+$0x260]  }
0x30: {  	[tilespmem:s6+$0x620] =	vst v7;
	v8 =	vsub.f32 $1.000000000e+00, v3;
	v6 =	vadd.f32 v3, v6;
	vm0 =	vge.f32 v10, v5;
	v2 =	vld [tilespmem:s6+$0x70]  }
0x31: {  	s7 =	sshra.s32 s8, $0x2;
	[tilespmem:s6+$0x430] =	vst v3;
	v7 =	vsel vm0, $0x3F800000, v0;
	v5 =	vld [tilespmem:s6+$0x270]  }
0x32: {  	s8 =	sadd.s32 $0x200, s8;
	v3 =	vld [tilespmem:s7+$0x0];
	[tilespmem:s6+$0x630] =	vst v8;
	v8 =	vsub.f32 $1.000000000e+00, v7;
	v6 =	vadd.f32 v7, v6;
	vm0 =	vge.f32 v11, v12  }
0x33: {  	v9 =	vld [tilespmem:s7+$0x200];
	[tilespmem:s6+$0x440] =	vst v7;
	v36 =	vsel vm0, $0x3F800000, v0  }
0x34: {  	v7 =	vld [tilespmem:s7+$0x10];
	[tilespmem:s6+$0x640] =	vst v8;
	v11 =	vsub.f32 $1.000000000e+00, v36;
	vm6 =	vge.f32 v1, v4  }
0x35: {  	v10 =	vld [tilespmem:s7+$0x210];
	[tilespmem:s6+$0x450] =	vst v36;
	v1 =	vsel vm6, $0x3F800000, v0  }
0x36: {  	v12 =	vld [tilespmem:s7+$0x20];
	[tilespmem:s6+$0x650] =	vst v11;
	v38 =	vsub.f32 $1.000000000e+00, v1;
	vm7 =	vge.f32 v2, v5  }
0x37: {  	v37 =	vld [tilespmem:s7+$0x220];
	[tilespmem:s6+$0x460] =	vst v1;
	v2 =	vsel vm7, $0x3F800000, v0  }
0x38: {  	v13 =	vld [tilespmem:s7+$0x30];
	[tilespmem:s6+$0x660] =	vst v38;
	v40 =	vsub.f32 $1.000000000e+00, v2  }
0x39: {  	v39 =	vld [tilespmem:s7+$0x230];
	[tilespmem:s6+$0x470] =	vst v2  }
0x3a: {  	v6 =	vadd.f32 v36, v6;
	vm8 =	vge.f32 v3, v9;
	v41 =	vld [tilespmem:s7+$0x40];
	[tilespmem:s6+$0x670] =	vst v40  }
0x3b: {  	v9 =	vsel vm8, $0x3F800000, v0;
	v14 =	vld [tilespmem:s7+$0x240]  }
0x3c: {  	v1 =	vadd.f32 v1, v6;
	v42 =	vsub.f32 $1.000000000e+00, v9;
	vm9 =	vge.f32 v7, v10;
	v43 =	vld [tilespmem:s7+$0x50]  }
0x3d: {  	[tilespmem:s7+$0x400] =	vst v9;
	v7 =	vsel vm9, $0x3F800000, v0;
	v45 =	vld [tilespmem:s7+$0x250]  }
0x3e: {  	v1 =	vadd.f32 v2, v1;
	v46 =	vld [tilespmem:s7+$0x60];
	[tilespmem:s7+$0x600] =	vst v42;
	v44 =	vsub.f32 $1.000000000e+00, v7;
	vm10 =	vge.f32 v12, v37  }
0x3f: {  	v48 =	vld [tilespmem:s7+$0x260];
	[tilespmem:s7+$0x410] =	vst v7;
	v4 =	vsel vm10, $0x3F800000, v0  }
0x40: {  	v1 =	vadd.f32 v9, v1;
	v50 =	vld [tilespmem:s7+$0x70];
	[tilespmem:s7+$0x610] =	vst v44;
	v47 =	vsub.f32 $1.000000000e+00, v4;
	vm11 =	vge.f32 v13, v39  }
0x41: {  	v52 =	vld [tilespmem:s7+$0x270];
	[tilespmem:s7+$0x420] =	vst v4;
	v49 =	vsel vm11, $0x3F800000, v0  }
0x42: {  	v1 =	vadd.f32 v7, v1;
	[tilespmem:s7+$0x620] =	vst v47;
	v51 =	vsub.f32 $1.000000000e+00, v49  }
0x43: {  	vm12 =	vge.f32 v41, v14;
	[tilespmem:s7+$0x430] =	vst v49  }
0x44: {  	v1 =	vadd.f32 v4, v1;
	vm13 =	vge.f32 v43, v45;
	v3 =	vsel vm12, $0x3F800000, v0;
	[tilespmem:s7+$0x630] =	vst v51  }
0x45: {  	vm14 =	vge.f32 v46, v48;
	v54 =	vsel vm13, $0x3F800000, v0;
	[tilespmem:s7+$0x440] =	vst v3  }
0x46: {  	vm15 =	vge.f32 v50, v52;
	v1 =	vadd.f32 v49, v1;
	v56 =	vsel vm14, $0x3F800000, v0;
	[tilespmem:s7+$0x450] =	vst v54  }
0x47: {  	v58 =	vsel vm15, $0x3F800000, v0;
	v53 =	vsub.f32 $1.000000000e+00, v3;
	[tilespmem:s7+$0x460] =	vst v56  }
0x48: {  	v55 =	vsub.f32 $1.000000000e+00, v54;
	[tilespmem:s7+$0x470] =	vst v58;
	v1 =	vadd.f32 v3, v1  }
0x49: {  	v57 =	vsub.f32 $1.000000000e+00, v56;
	[tilespmem:s7+$0x640] =	vst v53  }
0x4a: {  	v59 =	vsub.f32 $1.000000000e+00, v58;
	[tilespmem:s7+$0x650] =	vst v55;
	v1 =	vadd.f32 v54, v1  }
0x4b: {  	p0 =	seq.s32 s1, $0xA;
	[tilespmem:s7+$0x660] =	vst v57  }
0x4c: {  	s4 =	sadd.s32 s4, s5;
	s6 =	simm.s32 @!p0 $0x0;
	[tilespmem:s7+$0x670] =	vst v59;
	s7 =	simm.s32 @!p0 $0x400;
	v1 =	vadd.f32 v56, v1  }
0x4d: {  	[hbm4b:s4+s6] =	stream.linear.scatter @!p0 [tilespmem:s7], [sflag:$0x1], $0x200, $0x38;
	[tilespmem:$0x1110] =	vst v63  }
0x4e: {  	s3 =	sadd.s32 s3, s5;
	s5 =	simm.s32 @!p0 $0x600;
	v0 =	vadd.f32 v58, v1  }
0x4f: {  	[hbm4b:s3+s6] =	stream.linear.scatter @!p0 [tilespmem:s5], [sflag:$0x1], $0x200, $0x38;
	[tilespmem:$0x1110] =	vst v63  }
0x50: {  	[tilespmem:$0x1090] =	vst v0  }
0x51: {  	[tilespmem:$0x10A0] =	vst v0  }
0x52: {  	v60 =	vld [tilespmem:$0x1098];
	_ =	sdelay $0x4  }
0x53: {  	v0 =	vadd.f32 v60, v0;
	_ =	sdelay $0x1  }
0x54: {  	[tilespmem:$0x1090] =	vst v0  }
0x55: {  	[tilespmem:$0x10A0] =	vst v0  }
0x56: {  	v61 =	vld [tilespmem:$0x1094];
	_ =	sdelay $0x4  }
0x57: {  	v0 =	vadd.f32 v61, v0;
	_ =	sdelay $0x1  }
0x58: {  	[tilespmem:$0x1090] =	vst v0  }
0x59: {  	[tilespmem:$0x10A0] =	vst v0  }
0x5a: {  	v62 =	vld [tilespmem:$0x1092];
	_ =	sdelay $0x4  }
0x5b: {  	v0 =	vadd.f32 v62, v0;
	_ =	sdelay $0x1  }
0x5c: {  	[tilespmem:$0x1090] =	vst v0  }
0x5d: {  	[tilespmem:$0x10A0] =	vst v0  }
0x5e: {  	v63 =	vld [tilespmem:$0x1091];
	_ =	sdelay $0x4  }
0x5f: {  	v0 =	vadd.f32 v63, v0  }
0x60: {  	s28 =	sshll.u32 s1, $0x7  }
0x61: {  	s29 =	simm.s32 $0x800;
	s30 =	simm.s32 $0x2;
	s5 =	sadd.s32 s28, s2;
	[tilespmem:$0x800] =	vst v0  }
0x62: {  	[spmem:s5] =	stream.linear.scatter [tilespmem:s29], [sflag:$0x2], $0x80, $0x38;
	[tilespmem:$0x1110] =	vst v63  }
0x63: {  	_ =	swait.ge [sflag:s30], $0x80  }
0x64: {  	[sflag:s30] =	ssyncset.done $0x0  }
0x65: {  	p0 =	sne.s32 s1, $0xA;
	[sflag:s30] =	ssyncadd.s32 $0xFFFFFF80  }
0x66: {  	s5 =	simm.s32 @!p0 $0x890;
	[bflag:$0x0] =	sbarrier.arrive $0xFFFF  }
0x67: {  	[tilespmem:s5], [sflag:$0x2] =	stream.linear.gather @!p0 [spmem:s2], $0x800, $0x38;
	[tilespmem:$0x1110] =	vst v63  }
0x68: {  	s2 =	simm.s32 @!p0 $0x2  }
0x69: {  	_ =	swait.ge @!p0 [sflag:s2], $0x800  }
0x6a: {  	[sflag:s2] =	ssyncset.done @!p0 $0x0  }
0x6b: {  	[sflag:s2] =	ssyncadd.s32 @!p0 $0xFFFFF800  }
0x6c: {  	v0 =	vld @!p0 [tilespmem:$0x890];
	_ =	sdelay $0x1  }
0x6d: {  	v1 =	vld @!p0 [tilespmem:$0x910];
	_ =	sdelay $0x1  }
0x6e: {  	v2 =	vld @!p0 [tilespmem:$0x990]  }
0x6f: {  	v0 =	vadd.f32 @!p0 $0.0e+00, v0  }
0x70: {  	v3 =	vld @!p0 [tilespmem:$0xA10]  }
0x71: {  	v0 =	vadd.f32 @!p0 v1, v0  }
0x72: {  	v1 =	vld @!p0 [tilespmem:$0xA90]  }
0x73: {  	v0 =	vadd.f32 @!p0 v2, v0  }
0x74: {  	v2 =	vld @!p0 [tilespmem:$0xB10]  }
0x75: {  	v0 =	vadd.f32 @!p0 v3, v0  }
0x76: {  	v3 =	vld @!p0 [tilespmem:$0xB90]  }
0x77: {  	v0 =	vadd.f32 @!p0 v1, v0  }
0x78: {  	v1 =	vld @!p0 [tilespmem:$0xC10]  }
0x79: {  	v0 =	vadd.f32 @!p0 v2, v0  }
0x7a: {  	v2 =	vld @!p0 [tilespmem:$0xC90]  }
0x7b: {  	v0 =	vadd.f32 @!p0 v3, v0  }
0x7c: {  	v3 =	vld @!p0 [tilespmem:$0xD10]  }
0x7d: {  	v0 =	vadd.f32 @!p0 v1, v0  }
0x7e: {  	v1 =	vld @!p0 [tilespmem:$0xD90]  }
0x7f: {  	v0 =	vadd.f32 @!p0 v2, v0  }
0x80: {  	v2 =	vld @!p0 [tilespmem:$0xE10]  }
0x81: {  	v0 =	vadd.f32 @!p0 v3, v0  }
0x82: {  	v3 =	vld @!p0 [tilespmem:$0xE90]  }
0x83: {  	v0 =	vadd.f32 @!p0 v1, v0  }
0x84: {  	v1 =	vld @!p0 [tilespmem:$0xF10]  }
0x85: {  	v0 =	vadd.f32 @!p0 v2, v0  }
0x86: {  	v2 =	vld @!p0 [tilespmem:$0xF90]  }
0x87: {  	v0 =	vadd.f32 @!p0 v3, v0  }
0x88: {  	v3 =	vld @!p0 [tilespmem:$0x1010]  }
0x89: {  	v0 =	vadd.f32 @!p0 v1, v0;
	_ =	sdelay $0x1  }
0x8a: {  	v0 =	vadd.f32 @!p0 v2, v0  }
0x8b: {  	v1 =	vld @!p0 [tilespmem:$0x4C0]  }
0x8c: {  	v2 =	vld @!p0 [tilespmem:$0x6C0];
	v0 =	vadd.f32 @!p0 v3, v0;
	_ =	sdelay $0x1  }
0x8d: {  	vm0 =	veq.f32 @!p0 v0, $8.192000000e+03;
	vm1 =	veq.f32 @!p0 v0, $0.0e+00  }
0x8e: {  	vm0 =	vmor @!p0 vm0, vm1;
	vm1 =	vcmask @!p0 $0x1310  }
0x8f: {  	vm0 =	vmand @!p0 vm0, vm1  }
0x90: {  	v0 =	vsel @!p0 vm0, v2, v1  }
0x91: {  	[tilespmem:$0x4C0] =	vst @!p0 v0;
	v0 =	vsel @!p0 vm0, v1, v2  }
0x92: {  	s5 =	simm.s32 @!p0 $0x400;
	s2 =	simm.s32 @!p0 $0x0;
	[tilespmem:$0x6C0] =	vst @!p0 v0  }
0x93: {  	[hbm4b:s4+s2] =	stream.linear.scatter @!p0 [tilespmem:s5], [sflag:$0x1], $0x200, $0x38;
	[tilespmem:$0x1110] =	vst v63  }
0x94: {  	s31 =	simm.s32 $0x1;
	s4 =	simm.s32 @!p0 $0x600  }
0x95: {  	[hbm4b:s3+s2] =	stream.linear.scatter @!p0 [tilespmem:s4], [sflag:$0x1], $0x200, $0x38;
	[tilespmem:$0x1110] =	vst v63  }
0x96: {  	_ =	swait.ge [sflag:s31], $0x200  }
0x97: {  	[sflag:s31] =	ssyncset.done $0x0  }
0x98: {  	[sflag:s31] =	ssyncadd.s32 $0xFFFFFE00  }
0x99: {  	_ =	swait.ge [sflag:s31], $0x200  }
0x9a: {  	[sflag:s31] =	ssyncset.done $0x0  }
0x9b: {  	[sflag:s31] =	ssyncadd.s32 $0xFFFFFE00  }
0x9c: {  	_ =	sfence.sel $0x180000  }
0x9d: {  	[bflag:$0x0] =	sbarrier.arrive $0xFFFF  }
0x9e: {  	p0 =	sne.s32 s1, $0x0;
	_ =	strace $0x90000047  }
0x9f: {  	s0 =	sadd.s32 @!p0 $0x100000, s0;
	[bflag:$0x2] =	sbarrier.arrive $0xFFFF  }
0xa0: {  	[sflag:s0] =	ssyncadd.tile.s32 @!p0 $0x1;
	_ =	shalt  }
.Lfunc_end2:
_tile_overlayer_lowered:
.L_overlay_start_2:
0xa1: {  	(tag) =	ssettag $0x2  }
0xa2: {  	s0 =	rddreg [dreg:$0x0];
	s2 =	stileid.u32  }
0xa3: {  	s1 =	rddreg [dreg:$0x1];
	p0 =	sne.s32 s2, $0x0  }
0xa4: {  	s3 =	rddreg [dreg:$0x2];
	[bflag:$0x3] =	sbarrier.arrive $0xFFFF;
	s2 =	simm.s32 @!p0 $0x1C02  }
0xa5: {  	[timem:s3], [sflag:s2] =	dma.local @!p0 [hbm:s0], s1  }
0xa6: {  	s0 =	simm.s32 @!p0 $0x2  }
0xa7: {  	_ =	swait.ge @!p0 [sflag:s0], s1  }
0xa8: {  	s1 =	ssub.s32 @!p0 $0x0, s1;
	[sflag:s0] =	ssyncset.done @!p0 $0x0  }
0xa9: {  	[sflag:s0] =	ssyncadd.s32 @!p0 s1  }
0xaa: {  	[bflag:$0x3] =	sbarrier.arrive $0xFFFF  }
0xab: {  	_ =	shalt  }

</sc_bundles>
